<compile_context>
chip_gen: v7x
topology: tpu7x:2x2x1
jax: 0.10.2.dev20260603
libtpu: 0.0.44.dev20260713+nightly
codegen_flags: <defaults>
</compile_context>

<pallas_src>
import functools

import jax
import jax.numpy as jnp
from jax import lax
from jax.experimental import pallas as pl
from jax.experimental.pallas import tpu as pltpu
from jax.experimental.pallas import tpu_sc as plsc

_EPS = 1e-12
_NC = 2
_NS = 16
_NW = _NC * _NS
_L = 16
_CH = 16


def _allreduce_sum16(v, scratch):
    lanes = lax.iota(jnp.int32, _L)
    for sh in (8, 4, 2, 1):
        scratch[...] = v
        v = v + plsc.load_gather(scratch, [lanes ^ sh])
    return v


def _rsqrt16(v):
    ii = plsc.bitcast(v, jnp.int32)
    magic = jnp.full((_L,), 0x5F3759DF, jnp.int32)
    r = plsc.bitcast(magic - lax.shift_right_logical(ii, 1), jnp.float32)
    for _ in range(4):
        r = r * (1.5 - 0.5 * v * r * r)
    return r


def _make_sc_call(R, S, D):
    rw = R // _NW
    nch = rw // _CH
    ng = nch // 2
    nj = D // _L
    cd = _CH * D
    mesh = plsc.VectorSubcoreMesh(core_axis_name="c", subcore_axis_name="s")

    @functools.partial(
        pl.kernel,
        mesh=mesh,
        out_type=jax.ShapeDtypeStruct((R * D,), jnp.float32),
        compiler_params=pltpu.CompilerParams(needs_layout_passes=False),
        scratch_types=[
            pltpu.VMEM((2 * cd,), jnp.float32),
            pltpu.VMEM((2 * cd,), jnp.float32),
            pltpu.VMEM((2 * cd,), jnp.float32),
            pltpu.VMEM((D,), jnp.float32),
            pltpu.VMEM((D,), jnp.float32),
            pltpu.VMEM((_L,), jnp.float32),
            pltpu.SemaphoreType.DMA,
            pltpu.SemaphoreType.DMA,
            pltpu.SemaphoreType.DMA,
            pltpu.SemaphoreType.DMA,
            pltpu.SemaphoreType.DMA,
            pltpu.SemaphoreType.DMA,
        ],
    )
    def sc_call(x_hbm, t_hbm, g_hbm, b_hbm, o_hbm, xb, tb, ob, gb, bb, rs,
                xs0, ts0, os0, xs1, ts1, os1):
        cid = lax.axis_index("c")
        sid = lax.axis_index("s")
        wid = sid * _NC + cid
        base = wid * rw
        pltpu.sync_copy(g_hbm, gb)
        pltpu.sync_copy(b_hbm, bb)

        def in_slices(chunk):
            row0 = base + chunk * _CH
            s0 = lax.rem(row0, S)
            return (x_hbm.at[pl.ds(row0 * D, cd)], t_hbm.at[pl.ds(s0 * D, cd)],
                    o_hbm.at[pl.ds(row0 * D, cd)])

        def issue_in(chunk, soff, xs, ts):
            xsl, tsl, _ = in_slices(chunk)
            pltpu.async_copy(xsl, xb.at[pl.ds(soff, cd)], xs)
            pltpu.async_copy(tsl, tb.at[pl.ds(soff, cd)], ts)

        def compute_chunk(soff):
            def row_body(i, _):
                roff = soff + i * D

                zero = jnp.zeros((_L,), jnp.float32)

                @plsc.parallel_loop(0, nj // 4, carry=(zero,) * 8, unroll=2)
                def accs(j, carry):
                    a = list(carry)
                    j0 = roff + j * (4 * _L)
                    for u in range(4):
                        sl = pl.ds(j0 + u * _L, _L)
                        e = xb[sl] + tb[sl]
                        xb[sl] = e
                        a[u] = a[u] + e
                        a[4 + u] = a[4 + u] + e * e
                    return tuple(a)

                acc = (accs[0] + accs[1]) + (accs[2] + accs[3])
                acc2 = (accs[4] + accs[5]) + (accs[6] + accs[7])
                meanv = _allreduce_sum16(acc, rs) * (1.0 / D)
                varv = _allreduce_sum16(acc2, rs) * (1.0 / D) - meanv * meanv
                varv = jnp.maximum(varv, 0.0)
                stdv = varv * _rsqrt16(varv)
                invv = _rsqrt16(stdv + _EPS)

                @plsc.parallel_loop(0, nj, unroll=4)
                def _(j):
                    sl = pl.ds(roff + j * _L, _L)
                    gl = pl.ds(j * _L, _L)
                    ob[sl] = gb[gl] * ((xb[sl] - meanv) * invv) + bb[gl]

                return 0

            lax.fori_loop(0, _CH, row_body, 0)

        def process(chunk, g, soff, xs, ts, os):
            xsl, tsl, osl = in_slices(chunk)
            pltpu.make_async_copy(xsl, xb.at[pl.ds(soff, cd)], xs).wait()
            pltpu.make_async_copy(tsl, tb.at[pl.ds(soff, cd)], ts).wait()

            @pl.when(g > 0)
            def _():
                pltpu.make_async_copy(ob.at[pl.ds(soff, cd)], osl, os).wait()

            compute_chunk(soff)
            pltpu.async_copy(ob.at[pl.ds(soff, cd)], osl, os)

        issue_in(0, 0, xs0, ts0)

        def ring(g, _):
            c0 = 2 * g
            c1 = c0 + 1
            issue_in(c1, cd, xs1, ts1)
            process(c0, g, 0, xs0, ts0, os0)

            @pl.when(g < ng - 1)
            def _():
                issue_in(c0 + 2, 0, xs0, ts0)

            process(c1, g, cd, xs1, ts1, os1)
            return 0

        lax.fori_loop(0, ng, ring, 0)
        _, _, osl0 = in_slices(nch - 2)
        _, _, osl1 = in_slices(nch - 1)
        pltpu.make_async_copy(ob.at[pl.ds(0, cd)], osl0, os0).wait()
        pltpu.make_async_copy(ob.at[pl.ds(cd, cd)], osl1, os1).wait()

    return sc_call


def kernel(input, pos_table, gamma, beta):
    B, S, D = input.shape
    x = input.reshape(B * S * D)
    t = pos_table.reshape(S * D)
    out = _make_sc_call(B * S, S, D)(x, t, gamma, beta)
    return out.reshape(B, S, D)

# --- scband reference (transcript-rebuilt; emitter-appended) ---
"""Pipeline reference for scband-position-embedding-14800457302615 (READ-ONLY COPY).

The authoritative reference and input builder live on the scoring server;
editing this copy changes nothing except your own understanding.
"""

import jax, jax.numpy as jnp
import numpy as np

EPS = 1e-12

def setup_inputs(seed: int = 0) -> dict:
    key = jax.random.key(seed)
    k1, k2 = jax.random.split(key)
    B, S, D = 4, 8192, 1024
    inp = jax.random.normal(k1, (B, S, D), dtype=jnp.float32)
    pos_table = jax.random.normal(k2, (8192, D), dtype=jnp.float32) * 0.02
    gamma = jnp.ones((D,), dtype=jnp.float32)
    beta = jnp.zeros((D,), dtype=jnp.float32)
    return {"input": inp, "pos_table": pos_table, "gamma": gamma, "beta": beta}


def reference(input, pos_table, gamma, beta):
    B, S, D = input.shape
    pos_idx = jnp.arange(S, dtype=jnp.int32)
    pos_emb_out = jnp.take(pos_table, pos_idx, axis=0)  # [S, D]
    emb = input + pos_emb_out[None, :, :]
    mean = jnp.mean(emb, axis=-1, keepdims=True)
    # torch: std (unbiased=False) then sqrt(std + eps) -- faithful to original
    std = jnp.sqrt(jnp.mean((emb - mean) ** 2, axis=-1, keepdims=True))
    out = gamma * (emb - mean) / jnp.sqrt(std + EPS) + beta
    # dropout rate is 0.0 -> identity
    return out

if __name__ == "__main__":
    import jax
    _d = setup_inputs()
    print(jax.jit(kernel)(*tuple(_d.values())))

</pallas_src>

<mosaic_0001>
#map = affine_map<(d0, d1) -> (0)>
module attributes {stable_mosaic.version = 14 : i64} {
  func.func @sc_call(%arg0: i32, %arg1: i32, %arg2: memref<33554432xf32, #tpu.memory_space<hbm>>, %arg3: memref<8388608xf32, #tpu.memory_space<hbm>>, %arg4: memref<1024xf32, #tpu.memory_space<hbm>>, %arg5: memref<1024xf32, #tpu.memory_space<hbm>>, %arg6: memref<33554432xf32, #tpu.memory_space<hbm>>, %arg7: memref<32768xf32, #tpu.memory_space<vmem>>, %arg8: memref<32768xf32, #tpu.memory_space<vmem>>, %arg9: memref<32768xf32, #tpu.memory_space<vmem>>, %arg10: memref<1024xf32, #tpu.memory_space<vmem>>, %arg11: memref<1024xf32, #tpu.memory_space<vmem>>, %arg12: memref<16xf32, #tpu.memory_space<vmem>>, %arg13: memref<!tpu.dma_semaphore, #tpu.memory_space<semaphore_mem>>, %arg14: memref<!tpu.dma_semaphore, #tpu.memory_space<semaphore_mem>>, %arg15: memref<!tpu.dma_semaphore, #tpu.memory_space<semaphore_mem>>, %arg16: memref<!tpu.dma_semaphore, #tpu.memory_space<semaphore_mem>>, %arg17: memref<!tpu.dma_semaphore, #tpu.memory_space<semaphore_mem>>, %arg18: memref<!tpu.dma_semaphore, #tpu.memory_space<semaphore_mem>>) attributes {dimension_semantics = [#tpu.dimension_semantics<core_parallel>, #tpu.dimension_semantics<subcore_parallel>], iteration_bounds = array<i64: 2, 16>, scalar_prefetch = 0 : i64, scratch_operands = 12 : i64, tpu.core_type = #tpu.core_type<sc_vector_subcore>, window_params = [{transform_indices = #map}, {transform_indices = #map}, {transform_indices = #map}, {transform_indices = #map}, {transform_indices = #map}]} {
    %mul3A = arith.constant 2 : i32
    %mul3A_0 = arith.muli %arg1, %mul3A : i32
    %add3A = arith.addi %mul3A_0, %arg0 : i32
    %mul3A_1 = arith.constant 1024 : i32
    %mul3A_2 = arith.muli %add3A, %mul3A_1 : i32
    "tpu.region"() ({
      %run_scoped3A = tpu.sem_alloc : memref<!tpu.dma_semaphore, #tpu.memory_space<semaphore_mem>>
      tpu.enqueue_dma source(%arg4 : memref<1024xf32, #tpu.memory_space<hbm>>) target(%arg10 : memref<1024xf32, #tpu.memory_space<vmem>>) target_semaphore(%run_scoped3A : memref<!tpu.dma_semaphore, #tpu.memory_space<semaphore_mem>>)
      tpu.wait_dma2 semaphore(%run_scoped3A : memref<!tpu.dma_semaphore, #tpu.memory_space<semaphore_mem>>) src(%arg4 : memref<1024xf32, #tpu.memory_space<hbm>>) dst(%arg10 : memref<1024xf32, #tpu.memory_space<vmem>>)
      tpu.yield
    }) : () -> ()
    "tpu.region"() ({
      %run_scoped3A = tpu.sem_alloc : memref<!tpu.dma_semaphore, #tpu.memory_space<semaphore_mem>>
      tpu.enqueue_dma source(%arg5 : memref<1024xf32, #tpu.memory_space<hbm>>) target(%arg11 : memref<1024xf32, #tpu.memory_space<vmem>>) target_semaphore(%run_scoped3A : memref<!tpu.dma_semaphore, #tpu.memory_space<semaphore_mem>>)
      tpu.wait_dma2 semaphore(%run_scoped3A : memref<!tpu.dma_semaphore, #tpu.memory_space<semaphore_mem>>) src(%arg5 : memref<1024xf32, #tpu.memory_space<hbm>>) dst(%arg11 : memref<1024xf32, #tpu.memory_space<vmem>>)
      tpu.yield
    }) : () -> ()
    %add3A_3 = arith.constant 0 : i32
    %add3A_4 = arith.addi %mul3A_2, %add3A_3 : i32
    %rem3A = arith.constant 8192 : i32
    %rem3A_5 = arith.remsi %add3A_4, %rem3A : i32
    %mul3A_6 = arith.constant 1024 : i32
    %mul3A_7 = arith.muli %add3A_4, %mul3A_6 : i32
    %mul3A_8 = arith.constant 1024 : i32
    %mul3A_9 = arith.muli %rem3A_5, %mul3A_8 : i32
    %mul3A_10 = arith.constant 1024 : i32
    %mul3A_11 = arith.muli %add3A_4, %mul3A_10 : i32
    %dma_start3A = arith.constant 0 : i32
    %dma_start3A_12 = tpu.memref_slice %arg7[%dma_start3A] : memref<32768xf32, #tpu.memory_space<vmem>> -> memref<16384xf32, #tpu.memory_space<vmem>>
    %dma_start3A_13 = tpu.memref_slice %arg2[%mul3A_7] : memref<33554432xf32, #tpu.memory_space<hbm>> -> memref<16384xf32, #tpu.memory_space<hbm>>
    %dma_start3A_14 = arith.constant 0 : i32
    %dma_start3A_15 = tpu.memref_slice %arg7[%dma_start3A_14] : memref<32768xf32, #tpu.memory_space<vmem>> -> memref<16384xf32, #tpu.memory_space<vmem>>
    %dma_start3A_16 = tpu.memref_slice %arg2[%mul3A_7] : memref<33554432xf32, #tpu.memory_space<hbm>> -> memref<16384xf32, #tpu.memory_space<hbm>>
    tpu.enqueue_dma source(%dma_start3A_16 : memref<16384xf32, #tpu.memory_space<hbm>>) target(%dma_start3A_15 : memref<16384xf32, #tpu.memory_space<vmem>>) target_semaphore(%arg13 : memref<!tpu.dma_semaphore, #tpu.memory_space<semaphore_mem>>)
    %dma_start3A_17 = arith.constant 0 : i32
    %dma_start3A_18 = tpu.memref_slice %arg8[%dma_start3A_17] : memref<32768xf32, #tpu.memory_space<vmem>> -> memref<16384xf32, #tpu.memory_space<vmem>>
    %dma_start3A_19 = tpu.memref_slice %arg3[%mul3A_9] : memref<8388608xf32, #tpu.memory_space<hbm>> -> memref<16384xf32, #tpu.memory_space<hbm>>
    %dma_start3A_20 = arith.constant 0 : i32
    %dma_start3A_21 = tpu.memref_slice %arg8[%dma_start3A_20] : memref<32768xf32, #tpu.memory_space<vmem>> -> memref<16384xf32, #tpu.memory_space<vmem>>
    %dma_start3A_22 = tpu.memref_slice %arg3[%mul3A_9] : memref<8388608xf32, #tpu.memory_space<hbm>> -> memref<16384xf32, #tpu.memory_space<hbm>>
    tpu.enqueue_dma source(%dma_start3A_22 : memref<16384xf32, #tpu.memory_space<hbm>>) target(%dma_start3A_21 : memref<16384xf32, #tpu.memory_space<vmem>>) target_semaphore(%arg14 : memref<!tpu.dma_semaphore, #tpu.memory_space<semaphore_mem>>)
    %scan3A = arith.constant 0 : i32
    %scan3A_23 = arith.constant 0 : i32
    %scan3A_24 = arith.constant 32 : i32
    %scan3A_25 = arith.addi %scan3A_23, %scan3A_24 : i32
    %scan3A_26 = arith.constant 1 : i32
    %scan3A_27 = scf.for %scan3A_60 = %scan3A_23 to %scan3A_25 step %scan3A_26 iter_args(%scan3A_61 = %scan3A) -> (i32)  : i32 {
      %mul3A_62 = arith.constant 2 : i32
      %mul3A_63 = arith.muli %mul3A_62, %scan3A_60 : i32
      %add3A_64 = arith.constant 1 : i32
      %add3A_65 = arith.addi %mul3A_63, %add3A_64 : i32
      %mul3A_66 = arith.constant 16 : i32
      %mul3A_67 = arith.muli %add3A_65, %mul3A_66 : i32
      %add3A_68 = arith.addi %mul3A_2, %mul3A_67 : i32
      %rem3A_69 = arith.constant 8192 : i32
      %rem3A_70 = arith.remsi %add3A_68, %rem3A_69 : i32
      %mul3A_71 = arith.constant 1024 : i32
      %mul3A_72 = arith.muli %add3A_68, %mul3A_71 : i32
      %mul3A_73 = arith.constant 1024 : i32
      %mul3A_74 = arith.muli %rem3A_70, %mul3A_73 : i32
      %mul3A_75 = arith.constant 1024 : i32
      %mul3A_76 = arith.muli %add3A_68, %mul3A_75 : i32
      %dma_start3A_77 = arith.constant 16384 : i32
      %dma_start3A_78 = tpu.memref_slice %arg7[%dma_start3A_77] : memref<32768xf32, #tpu.memory_space<vmem>> -> memref<16384xf32, #tpu.memory_space<vmem>>
      %dma_start3A_79 = tpu.memref_slice %arg2[%mul3A_72] : memref<33554432xf32, #tpu.memory_space<hbm>> -> memref<16384xf32, #tpu.memory_space<hbm>>
      %dma_start3A_80 = arith.constant 16384 : i32
      %dma_start3A_81 = tpu.memref_slice %arg7[%dma_start3A_80] : memref<32768xf32, #tpu.memory_space<vmem>> -> memref<16384xf32, #tpu.memory_space<vmem>>
      %dma_start3A_82 = tpu.memref_slice %arg2[%mul3A_72] : memref<33554432xf32, #tpu.memory_space<hbm>> -> memref<16384xf32, #tpu.memory_space<hbm>>
      tpu.enqueue_dma source(%dma_start3A_82 : memref<16384xf32, #tpu.memory_space<hbm>>) target(%dma_start3A_81 : memref<16384xf32, #tpu.memory_space<vmem>>) target_semaphore(%arg16 : memref<!tpu.dma_semaphore, #tpu.memory_space<semaphore_mem>>)
      %dma_start3A_83 = arith.constant 16384 : i32
      %dma_start3A_84 = tpu.memref_slice %arg8[%dma_start3A_83] : memref<32768xf32, #tpu.memory_space<vmem>> -> memref<16384xf32, #tpu.memory_space<vmem>>
      %dma_start3A_85 = tpu.memref_slice %arg3[%mul3A_74] : memref<8388608xf32, #tpu.memory_space<hbm>> -> memref<16384xf32, #tpu.memory_space<hbm>>
      %dma_start3A_86 = arith.constant 16384 : i32
      %dma_start3A_87 = tpu.memref_slice %arg8[%dma_start3A_86] : memref<32768xf32, #tpu.memory_space<vmem>> -> memref<16384xf32, #tpu.memory_space<vmem>>
      %dma_start3A_88 = tpu.memref_slice %arg3[%mul3A_74] : memref<8388608xf32, #tpu.memory_space<hbm>> -> memref<16384xf32, #tpu.memory_space<hbm>>
      tpu.enqueue_dma source(%dma_start3A_88 : memref<16384xf32, #tpu.memory_space<hbm>>) target(%dma_start3A_87 : memref<16384xf32, #tpu.memory_space<vmem>>) target_semaphore(%arg17 : memref<!tpu.dma_semaphore, #tpu.memory_space<semaphore_mem>>)
      %mul3A_89 = arith.constant 16 : i32
      %mul3A_90 = arith.muli %mul3A_63, %mul3A_89 : i32
      %add3A_91 = arith.addi %mul3A_2, %mul3A_90 : i32
      %rem3A_92 = arith.constant 8192 : i32
      %rem3A_93 = arith.remsi %add3A_91, %rem3A_92 : i32
      %mul3A_94 = arith.constant 1024 : i32
      %mul3A_95 = arith.muli %add3A_91, %mul3A_94 : i32
      %mul3A_96 = arith.constant 1024 : i32
      %mul3A_97 = arith.muli %rem3A_93, %mul3A_96 : i32
      %mul3A_98 = arith.constant 1024 : i32
      %mul3A_99 = arith.muli %add3A_91, %mul3A_98 : i32
      %dma_wait3A_100 = arith.constant 0 : i32
      %dma_wait3A_101 = tpu.memref_slice %arg7[%dma_wait3A_100] : memref<32768xf32, #tpu.memory_space<vmem>> -> memref<16384xf32, #tpu.memory_space<vmem>>
      %dma_wait3A_102 = tpu.memref_slice %arg2[%mul3A_95] : memref<33554432xf32, #tpu.memory_space<hbm>> -> memref<16384xf32, #tpu.memory_space<hbm>>
      %dma_wait3A_103 = arith.constant 0 : i32
      %dma_wait3A_104 = tpu.memref_slice %arg7[%dma_wait3A_103] : memref<32768xf32, #tpu.memory_space<vmem>> -> memref<16384xf32, #tpu.memory_space<vmem>>
      %dma_wait3A_105 = tpu.memref_slice %arg2[%mul3A_95] : memref<33554432xf32, #tpu.memory_space<hbm>> -> memref<16384xf32, #tpu.memory_space<hbm>>
      tpu.wait_dma2 semaphore(%arg13 : memref<!tpu.dma_semaphore, #tpu.memory_space<semaphore_mem>>) src(%dma_wait3A_105 : memref<16384xf32, #tpu.memory_space<hbm>>) dst(%dma_wait3A_104 : memref<16384xf32, #tpu.memory_space<vmem>>)
      %dma_wait3A_106 = arith.constant 0 : i32
      %dma_wait3A_107 = tpu.memref_slice %arg8[%dma_wait3A_106] : memref<32768xf32, #tpu.memory_space<vmem>> -> memref<16384xf32, #tpu.memory_space<vmem>>
      %dma_wait3A_108 = tpu.memref_slice %arg3[%mul3A_97] : memref<8388608xf32, #tpu.memory_space<hbm>> -> memref<16384xf32, #tpu.memory_space<hbm>>
      %dma_wait3A_109 = arith.constant 0 : i32
      %dma_wait3A_110 = tpu.memref_slice %arg8[%dma_wait3A_109] : memref<32768xf32, #tpu.memory_space<vmem>> -> memref<16384xf32, #tpu.memory_space<vmem>>
      %dma_wait3A_111 = tpu.memref_slice %arg3[%mul3A_97] : memref<8388608xf32, #tpu.memory_space<hbm>> -> memref<16384xf32, #tpu.memory_space<hbm>>
      tpu.wait_dma2 semaphore(%arg14 : memref<!tpu.dma_semaphore, #tpu.memory_space<semaphore_mem>>) src(%dma_wait3A_111 : memref<16384xf32, #tpu.memory_space<hbm>>) dst(%dma_wait3A_110 : memref<16384xf32, #tpu.memory_space<vmem>>)
      %gt3A = arith.constant 0 : i32
      %gt3A_112 = arith.cmpi sgt, %scan3A_60, %gt3A : i32
      %convert_element_type3A = arith.extui %gt3A_112 : i1 to i32
      %cond3A = arith.constant 0 : i32
      %cond3A_113 = arith.cmpi ne, %convert_element_type3A, %cond3A : i32
      scf.if %cond3A_113 {
        %dma_wait3A_173 = arith.constant 0 : i32
        %dma_wait3A_174 = tpu.memref_slice %arg9[%dma_wait3A_173] : memref<32768xf32, #tpu.memory_space<vmem>> -> memref<16384xf32, #tpu.memory_space<vmem>>
        %dma_wait3A_175 = tpu.memref_slice %arg6[%mul3A_99] : memref<33554432xf32, #tpu.memory_space<hbm>> -> memref<16384xf32, #tpu.memory_space<hbm>>
        %dma_wait3A_176 = tpu.memref_slice %arg6[%mul3A_99] : memref<33554432xf32, #tpu.memory_space<hbm>> -> memref<16384xf32, #tpu.memory_space<hbm>>
        %dma_wait3A_177 = arith.constant 0 : i32
        %dma_wait3A_178 = tpu.memref_slice %arg9[%dma_wait3A_177] : memref<32768xf32, #tpu.memory_space<vmem>> -> memref<16384xf32, #tpu.memory_space<vmem>>
        tpu.wait_dma2 semaphore(%arg15 : memref<!tpu.dma_semaphore, #tpu.memory_space<semaphore_mem>>) src(%dma_wait3A_178 : memref<16384xf32, #tpu.memory_space<vmem>>) dst(%dma_wait3A_176 : memref<16384xf32, #tpu.memory_space<hbm>>)
      } else {
      }
      %scan3A_114 = arith.constant 0 : i32
      %scan3A_115 = arith.constant 0 : i32
      %scan3A_116 = arith.constant 16 : i32
      %scan3A_117 = arith.addi %scan3A_115, %scan3A_116 : i32
      %scan3A_118 = arith.constant 1 : i32
      %scan3A_119 = scf.for %scan3A_173 = %scan3A_115 to %scan3A_117 step %scan3A_118 iter_args(%scan3A_174 = %scan3A_114) -> (i32)  : i32 {
        %mul3A_175 = arith.constant 1024 : i32
        %mul3A_176 = arith.muli %scan3A_173, %mul3A_175 : i32
        %add3A_177 = arith.constant 0 : i32
        %add3A_178 = arith.addi %add3A_177, %mul3A_176 : i32
        %broadcast_in_dim3A = arith.constant 0.000000e+00 : f32
        %broadcast_in_dim3A_179 = vector.broadcast %broadcast_in_dim3A : f32 to vector<16xf32>
        %parallel_loop3A = arith.constant 0 : i32
        %parallel_loop3A_180 = arith.constant 16 : i32
        %parallel_loop3A_181 = arith.constant 1 : i32
        %parallel_loop3A_182:8 = scf.for %parallel_loop3A_346 = %parallel_loop3A to %parallel_loop3A_180 step %parallel_loop3A_181 iter_args(%parallel_loop3A_347 = %broadcast_in_dim3A_179, %parallel_loop3A_348 = %broadcast_in_dim3A_179, %parallel_loop3A_349 = %broadcast_in_dim3A_179, %parallel_loop3A_350 = %broadcast_in_dim3A_179, %parallel_loop3A_351 = %broadcast_in_dim3A_179, %parallel_loop3A_352 = %broadcast_in_dim3A_179, %parallel_loop3A_353 = %broadcast_in_dim3A_179, %parallel_loop3A_354 = %broadcast_in_dim3A_179) -> (vector<16xf32>, vector<16xf32>, vector<16xf32>, vector<16xf32>, vector<16xf32>, vector<16xf32>, vector<16xf32>, vector<16xf32>)  : i32 {
          %parallel_loop3A_355 = arith.constant 64 : i32
          %parallel_loop3A_356 = arith.muli %parallel_loop3A_346, %parallel_loop3A_355 : i32
          %parallel_loop3A_357 = arith.addi %add3A_178, %parallel_loop3A_356 : i32
          %parallel_loop3A_358 = arith.constant 0 : i32
          %parallel_loop3A_359 = arith.addi %parallel_loop3A_357, %parallel_loop3A_358 : i32
          %parallel_loop3A_360 = arith.index_cast %parallel_loop3A_359 : i32 to index
          %parallel_loop3A_361 = tpu.vector_load %arg7[%parallel_loop3A_360] {strides = array<i32>} : memref<32768xf32, #tpu.memory_space<vmem>>, vector<16xf32>,
          %parallel_loop3A_362 = arith.index_cast %parallel_loop3A_359 : i32 to index
          %parallel_loop3A_363 = tpu.vector_load %arg8[%parallel_loop3A_362] {strides = array<i32>} : memref<32768xf32, #tpu.memory_space<vmem>>, vector<16xf32>,
          %parallel_loop3A_364 = arith.addf %parallel_loop3A_361, %parallel_loop3A_363 : vector<16xf32>
          %parallel_loop3A_365 = arith.index_cast %parallel_loop3A_359 : i32 to index
          %parallel_loop3A_366 = tpu.vector_load %arg7[%parallel_loop3A_365] {strides = array<i32>} : memref<32768xf32, #tpu.memory_space<vmem>>, vector<16xf32>,
          tpu.vector_store %arg7[%parallel_loop3A_365], %parallel_loop3A_364 {strides = array<i32>} : memref<32768xf32, #tpu.memory_space<vmem>>, vector<16xf32>,
          %parallel_loop3A_367 = arith.addf %parallel_loop3A_347, %parallel_loop3A_364 : vector<16xf32>
          %parallel_loop3A_368 = arith.mulf %parallel_loop3A_364, %parallel_loop3A_364 : vector<16xf32>
          %parallel_loop3A_369 = arith.addf %parallel_loop3A_351, %parallel_loop3A_368 : vector<16xf32>
          %parallel_loop3A_370 = arith.constant 16 : i32
          %parallel_loop3A_371 = arith.addi %parallel_loop3A_357, %parallel_loop3A_370 : i32
          %parallel_loop3A_372 = arith.index_cast %parallel_loop3A_371 : i32 to index
          %parallel_loop3A_373 = tpu.vector_load %arg7[%parallel_loop3A_372] {strides = array<i32>} : memref<32768xf32, #tpu.memory_space<vmem>>, vector<16xf32>,
          %parallel_loop3A_374 = arith.index_cast %parallel_loop3A_371 : i32 to index
          %parallel_loop3A_375 = tpu.vector_load %arg8[%parallel_loop3A_374] {strides = array<i32>} : memref<32768xf32, #tpu.memory_space<vmem>>, vector<16xf32>,
          %parallel_loop3A_376 = arith.addf %parallel_loop3A_373, %parallel_loop3A_375 : vector<16xf32>
          %parallel_loop3A_377 = arith.index_cast %parallel_loop3A_371 : i32 to index
          %parallel_loop3A_378 = tpu.vector_load %arg7[%parallel_loop3A_377] {strides = array<i32>} : memref<32768xf32, #tpu.memory_space<vmem>>, vector<16xf32>,
          tpu.vector_store %arg7[%parallel_loop3A_377], %parallel_loop3A_376 {strides = array<i32>} : memref<32768xf32, #tpu.memory_space<vmem>>, vector<16xf32>,
          %parallel_loop3A_379 = arith.addf %parallel_loop3A_348, %parallel_loop3A_376 : vector<16xf32>
          %parallel_loop3A_380 = arith.mulf %parallel_loop3A_376, %parallel_loop3A_376 : vector<16xf32>
          %parallel_loop3A_381 = arith.addf %parallel_loop3A_352, %parallel_loop3A_380 : vector<16xf32>
          %parallel_loop3A_382 = arith.constant 32 : i32
          %parallel_loop3A_383 = arith.addi %parallel_loop3A_357, %parallel_loop3A_382 : i32
          %parallel_loop3A_384 = arith.index_cast %parallel_loop3A_383 : i32 to index
          %parallel_loop3A_385 = tpu.vector_load %arg7[%parallel_loop3A_384] {strides = array<i32>} : memref<32768xf32, #tpu.memory_space<vmem>>, vector<16xf32>,
          %parallel_loop3A_386 = arith.index_cast %parallel_loop3A_383 : i32 to index
          %parallel_loop3A_387 = tpu.vector_load %arg8[%parallel_loop3A_386] {strides = array<i32>} : memref<32768xf32, #tpu.memory_space<vmem>>, vector<16xf32>,
          %parallel_loop3A_388 = arith.addf %parallel_loop3A_385, %parallel_loop3A_387 : vector<16xf32>
          %parallel_loop3A_389 = arith.index_cast %parallel_loop3A_383 : i32 to index
          %parallel_loop3A_390 = tpu.vector_load %arg7[%parallel_loop3A_389] {strides = array<i32>} : memref<32768xf32, #tpu.memory_space<vmem>>, vector<16xf32>,
          tpu.vector_store %arg7[%parallel_loop3A_389], %parallel_loop3A_388 {strides = array<i32>} : memref<32768xf32, #tpu.memory_space<vmem>>, vector<16xf32>,
          %parallel_loop3A_391 = arith.addf %parallel_loop3A_349, %parallel_loop3A_388 : vector<16xf32>
          %parallel_loop3A_392 = arith.mulf %parallel_loop3A_388, %parallel_loop3A_388 : vector<16xf32>
          %parallel_loop3A_393 = arith.addf %parallel_loop3A_353, %parallel_loop3A_392 : vector<16xf32>
          %parallel_loop3A_394 = arith.constant 48 : i32
          %parallel_loop3A_395 = arith.addi %parallel_loop3A_357, %parallel_loop3A_394 : i32
          %parallel_loop3A_396 = arith.index_cast %parallel_loop3A_395 : i32 to index
          %parallel_loop3A_397 = tpu.vector_load %arg7[%parallel_loop3A_396] {strides = array<i32>} : memref<32768xf32, #tpu.memory_space<vmem>>, vector<16xf32>,
          %parallel_loop3A_398 = arith.index_cast %parallel_loop3A_395 : i32 to index
          %parallel_loop3A_399 = tpu.vector_load %arg8[%parallel_loop3A_398] {strides = array<i32>} : memref<32768xf32, #tpu.memory_space<vmem>>, vector<16xf32>,
          %parallel_loop3A_400 = arith.addf %parallel_loop3A_397, %parallel_loop3A_399 : vector<16xf32>
          %parallel_loop3A_401 = arith.index_cast %parallel_loop3A_395 : i32 to index
          %parallel_loop3A_402 = tpu.vector_load %arg7[%parallel_loop3A_401] {strides = array<i32>} : memref<32768xf32, #tpu.memory_space<vmem>>, vector<16xf32>,
          tpu.vector_store %arg7[%parallel_loop3A_401], %parallel_loop3A_400 {strides = array<i32>} : memref<32768xf32, #tpu.memory_space<vmem>>, vector<16xf32>,
          %parallel_loop3A_403 = arith.addf %parallel_loop3A_350, %parallel_loop3A_400 : vector<16xf32>
          %parallel_loop3A_404 = arith.mulf %parallel_loop3A_400, %parallel_loop3A_400 : vector<16xf32>
          %parallel_loop3A_405 = arith.addf %parallel_loop3A_354, %parallel_loop3A_404 : vector<16xf32>
          scf.yield %parallel_loop3A_367, %parallel_loop3A_379, %parallel_loop3A_391, %parallel_loop3A_403, %parallel_loop3A_369, %parallel_loop3A_381, %parallel_loop3A_393, %parallel_loop3A_405 : vector<16xf32>, vector<16xf32>, vector<16xf32>, vector<16xf32>, vector<16xf32>, vector<16xf32>, vector<16xf32>, vector<16xf32>
        } {sc.loop_unroll_factor = 2 : i64, sc.parallel_access}
        %add3A_183 = arith.addf %parallel_loop3A_182#0, %parallel_loop3A_182#1 : vector<16xf32>
        %add3A_184 = arith.addf %parallel_loop3A_182#2, %parallel_loop3A_182#3 : vector<16xf32>
        %add3A_185 = arith.addf %add3A_183, %add3A_184 : vector<16xf32>
        %add3A_186 = arith.addf %parallel_loop3A_182#4, %parallel_loop3A_182#5 : vector<16xf32>
        %add3A_187 = arith.addf %parallel_loop3A_182#6, %parallel_loop3A_182#7 : vector<16xf32>
        %add3A_188 = arith.addf %add3A_186, %add3A_187 : vector<16xf32>
        %iota3A = tpu.iota {dimensions = array<i32: 0>} : vector<16xi32>
        %swap3A = arith.constant 0 : index
        %swap3A_189 = tpu.vector_load %arg12[%swap3A] {strides = array<i32>} : memref<16xf32, #tpu.memory_space<vmem>>, vector<16xf32>,
        tpu.vector_store %arg12[%swap3A], %add3A_185 {strides = array<i32>} : memref<16xf32, #tpu.memory_space<vmem>>, vector<16xf32>,
        %xor3A = arith.constant 8 : i32
        %xor3A_190 = vector.broadcast %xor3A : i32 to vector<16xi32>
        %xor3A_191 = arith.xori %iota3A, %xor3A_190 : vector<16xi32>
        %gather3A = tpu.vector_load_idx %arg12[%xor3A_191] : memref<16xf32, #tpu.memory_space<vmem>>[vector<16xi32>], vector<16xf32>,
        %add3A_192 = arith.addf %add3A_185, %gather3A : vector<16xf32>
        %swap3A_193 = arith.constant 0 : index
        %swap3A_194 = tpu.vector_load %arg12[%swap3A_193] {strides = array<i32>} : memref<16xf32, #tpu.memory_space<vmem>>, vector<16xf32>,
        tpu.vector_store %arg12[%swap3A_193], %add3A_192 {strides = array<i32>} : memref<16xf32, #tpu.memory_space<vmem>>, vector<16xf32>,
        %xor3A_195 = arith.constant 4 : i32
        %xor3A_196 = vector.broadcast %xor3A_195 : i32 to vector<16xi32>
        %xor3A_197 = arith.xori %iota3A, %xor3A_196 : vector<16xi32>
        %gather3A_198 = tpu.vector_load_idx %arg12[%xor3A_197] : memref<16xf32, #tpu.memory_space<vmem>>[vector<16xi32>], vector<16xf32>,
        %add3A_199 = arith.addf %add3A_192, %gather3A_198 : vector<16xf32>
        %swap3A_200 = arith.constant 0 : index
        %swap3A_201 = tpu.vector_load %arg12[%swap3A_200] {strides = array<i32>} : memref<16xf32, #tpu.memory_space<vmem>>, vector<16xf32>,
        tpu.vector_store %arg12[%swap3A_200], %add3A_199 {strides = array<i32>} : memref<16xf32, #tpu.memory_space<vmem>>, vector<16xf32>,
        %xor3A_202 = arith.constant 2 : i32
        %xor3A_203 = vector.broadcast %xor3A_202 : i32 to vector<16xi32>
        %xor3A_204 = arith.xori %iota3A, %xor3A_203 : vector<16xi32>
        %gather3A_205 = tpu.vector_load_idx %arg12[%xor3A_204] : memref<16xf32, #tpu.memory_space<vmem>>[vector<16xi32>], vector<16xf32>,
        %add3A_206 = arith.addf %add3A_199, %gather3A_205 : vector<16xf32>
        %swap3A_207 = arith.constant 0 : index
        %swap3A_208 = tpu.vector_load %arg12[%swap3A_207] {strides = array<i32>} : memref<16xf32, #tpu.memory_space<vmem>>, vector<16xf32>,
        tpu.vector_store %arg12[%swap3A_207], %add3A_206 {strides = array<i32>} : memref<16xf32, #tpu.memory_space<vmem>>, vector<16xf32>,
        %xor3A_209 = arith.constant 1 : i32
        %xor3A_210 = vector.broadcast %xor3A_209 : i32 to vector<16xi32>
        %xor3A_211 = arith.xori %iota3A, %xor3A_210 : vector<16xi32>
        %gather3A_212 = tpu.vector_load_idx %arg12[%xor3A_211] : memref<16xf32, #tpu.memory_space<vmem>>[vector<16xi32>], vector<16xf32>,
        %add3A_213 = arith.addf %add3A_206, %gather3A_212 : vector<16xf32>
        %mul3A_214 = arith.constant 9.765625E-4 : f32
        %mul3A_215 = vector.broadcast %mul3A_214 : f32 to vector<16xf32>
        %mul3A_216 = arith.mulf %add3A_213, %mul3A_215 : vector<16xf32>
        %iota3A_217 = tpu.iota {dimensions = array<i32: 0>} : vector<16xi32>
        %swap3A_218 = arith.constant 0 : index
        %swap3A_219 = tpu.vector_load %arg12[%swap3A_218] {strides = array<i32>} : memref<16xf32, #tpu.memory_space<vmem>>, vector<16xf32>,
        tpu.vector_store %arg12[%swap3A_218], %add3A_188 {strides = array<i32>} : memref<16xf32, #tpu.memory_space<vmem>>, vector<16xf32>,
        %xor3A_220 = arith.constant 8 : i32
        %xor3A_221 = vector.broadcast %xor3A_220 : i32 to vector<16xi32>
        %xor3A_222 = arith.xori %iota3A_217, %xor3A_221 : vector<16xi32>
        %gather3A_223 = tpu.vector_load_idx %arg12[%xor3A_222] : memref<16xf32, #tpu.memory_space<vmem>>[vector<16xi32>], vector<16xf32>,
        %add3A_224 = arith.addf %add3A_188, %gather3A_223 : vector<16xf32>
        %swap3A_225 = arith.constant 0 : index
        %swap3A_226 = tpu.vector_load %arg12[%swap3A_225] {strides = array<i32>} : memref<16xf32, #tpu.memory_space<vmem>>, vector<16xf32>,
        tpu.vector_store %arg12[%swap3A_225], %add3A_224 {strides = array<i32>} : memref<16xf32, #tpu.memory_space<vmem>>, vector<16xf32>,
        %xor3A_227 = arith.constant 4 : i32
        %xor3A_228 = vector.broadcast %xor3A_227 : i32 to vector<16xi32>
        %xor3A_229 = arith.xori %iota3A_217, %xor3A_228 : vector<16xi32>
        %gather3A_230 = tpu.vector_load_idx %arg12[%xor3A_229] : memref<16xf32, #tpu.memory_space<vmem>>[vector<16xi32>], vector<16xf32>,
        %add3A_231 = arith.addf %add3A_224, %gather3A_230 : vector<16xf32>
        %swap3A_232 = arith.constant 0 : index
        %swap3A_233 = tpu.vector_load %arg12[%swap3A_232] {strides = array<i32>} : memref<16xf32, #tpu.memory_space<vmem>>, vector<16xf32>,
        tpu.vector_store %arg12[%swap3A_232], %add3A_231 {strides = array<i32>} : memref<16xf32, #tpu.memory_space<vmem>>, vector<16xf32>,
        %xor3A_234 = arith.constant 2 : i32
        %xor3A_235 = vector.broadcast %xor3A_234 : i32 to vector<16xi32>
        %xor3A_236 = arith.xori %iota3A_217, %xor3A_235 : vector<16xi32>
        %gather3A_237 = tpu.vector_load_idx %arg12[%xor3A_236] : memref<16xf32, #tpu.memory_space<vmem>>[vector<16xi32>], vector<16xf32>,
        %add3A_238 = arith.addf %add3A_231, %gather3A_237 : vector<16xf32>
        %swap3A_239 = arith.constant 0 : index
        %swap3A_240 = tpu.vector_load %arg12[%swap3A_239] {strides = array<i32>} : memref<16xf32, #tpu.memory_space<vmem>>, vector<16xf32>,
        tpu.vector_store %arg12[%swap3A_239], %add3A_238 {strides = array<i32>} : memref<16xf32, #tpu.memory_space<vmem>>, vector<16xf32>,
        %xor3A_241 = arith.constant 1 : i32
        %xor3A_242 = vector.broadcast %xor3A_241 : i32 to vector<16xi32>
        %xor3A_243 = arith.xori %iota3A_217, %xor3A_242 : vector<16xi32>
        %gather3A_244 = tpu.vector_load_idx %arg12[%xor3A_243] : memref<16xf32, #tpu.memory_space<vmem>>[vector<16xi32>], vector<16xf32>,
        %add3A_245 = arith.addf %add3A_238, %gather3A_244 : vector<16xf32>
        %mul3A_246 = arith.constant 9.765625E-4 : f32
        %mul3A_247 = vector.broadcast %mul3A_246 : f32 to vector<16xf32>
        %mul3A_248 = arith.mulf %add3A_245, %mul3A_247 : vector<16xf32>
        %mul3A_249 = arith.mulf %mul3A_216, %mul3A_216 : vector<16xf32>
        %sub3A = arith.subf %mul3A_248, %mul3A_249 : vector<16xf32>
        %max3A = arith.constant 0.000000e+00 : f32
        %max3A_250 = vector.broadcast %max3A : f32 to vector<16xf32>
        %max3A_251 = arith.maximumf %sub3A, %max3A_250 : vector<16xf32>
        %bitcast3A = vector.bitcast %max3A_251 : vector<16xf32> to vector<16xi32>
        %broadcast_in_dim3A_252 = arith.constant 1597463007 : i32
        %broadcast_in_dim3A_253 = vector.broadcast %broadcast_in_dim3A_252 : i32 to vector<16xi32>
        %shift_right_logical3A = arith.constant 1 : i32
        %shift_right_logical3A_254 = vector.broadcast %shift_right_logical3A : i32 to vector<16xi32>
        %shift_right_logical3A_255 = arith.shrui %bitcast3A, %shift_right_logical3A_254 : vector<16xi32>
        %sub3A_256 = arith.subi %broadcast_in_dim3A_253, %shift_right_logical3A_255 : vector<16xi32>
        %bitcast3A_257 = vector.bitcast %sub3A_256 : vector<16xi32> to vector<16xf32>
        %mul3A_258 = arith.constant 5.000000e-01 : f32
        %mul3A_259 = vector.broadcast %mul3A_258 : f32 to vector<16xf32>
        %mul3A_260 = arith.mulf %mul3A_259, %max3A_251 : vector<16xf32>
        %mul3A_261 = arith.mulf %mul3A_260, %bitcast3A_257 : vector<16xf32>
        %mul3A_262 = arith.mulf %mul3A_261, %bitcast3A_257 : vector<16xf32>
        %sub3A_263 = arith.constant 1.500000e+00 : f32
        %sub3A_264 = vector.broadcast %sub3A_263 : f32 to vector<16xf32>
        %sub3A_265 = arith.subf %sub3A_264, %mul3A_262 : vector<16xf32>
        %mul3A_266 = arith.mulf %bitcast3A_257, %sub3A_265 : vector<16xf32>
        %mul3A_267 = arith.constant 5.000000e-01 : f32
        %mul3A_268 = vector.broadcast %mul3A_267 : f32 to vector<16xf32>
        %mul3A_269 = arith.mulf %mul3A_268, %max3A_251 : vector<16xf32>
        %mul3A_270 = arith.mulf %mul3A_269, %mul3A_266 : vector<16xf32>
        %mul3A_271 = arith.mulf %mul3A_270, %mul3A_266 : vector<16xf32>
        %sub3A_272 = arith.constant 1.500000e+00 : f32
        %sub3A_273 = vector.broadcast %sub3A_272 : f32 to vector<16xf32>
        %sub3A_274 = arith.subf %sub3A_273, %mul3A_271 : vector<16xf32>
        %mul3A_275 = arith.mulf %mul3A_266, %sub3A_274 : vector<16xf32>
        %mul3A_276 = arith.constant 5.000000e-01 : f32
        %mul3A_277 = vector.broadcast %mul3A_276 : f32 to vector<16xf32>
        %mul3A_278 = arith.mulf %mul3A_277, %max3A_251 : vector<16xf32>
        %mul3A_279 = arith.mulf %mul3A_278, %mul3A_275 : vector<16xf32>
        %mul3A_280 = arith.mulf %mul3A_279, %mul3A_275 : vector<16xf32>
        %sub3A_281 = arith.constant 1.500000e+00 : f32
        %sub3A_282 = vector.broadcast %sub3A_281 : f32 to vector<16xf32>
        %sub3A_283 = arith.subf %sub3A_282, %mul3A_280 : vector<16xf32>
        %mul3A_284 = arith.mulf %mul3A_275, %sub3A_283 : vector<16xf32>
        %mul3A_285 = arith.constant 5.000000e-01 : f32
        %mul3A_286 = vector.broadcast %mul3A_285 : f32 to vector<16xf32>
        %mul3A_287 = arith.mulf %mul3A_286, %max3A_251 : vector<16xf32>
        %mul3A_288 = arith.mulf %mul3A_287, %mul3A_284 : vector<16xf32>
        %mul3A_289 = arith.mulf %mul3A_288, %mul3A_284 : vector<16xf32>
        %sub3A_290 = arith.constant 1.500000e+00 : f32
        %sub3A_291 = vector.broadcast %sub3A_290 : f32 to vector<16xf32>
        %sub3A_292 = arith.subf %sub3A_291, %mul3A_289 : vector<16xf32>
        %mul3A_293 = arith.mulf %mul3A_284, %sub3A_292 : vector<16xf32>
        %mul3A_294 = arith.mulf %max3A_251, %mul3A_293 : vector<16xf32>
        %add3A_295 = arith.constant 9.99999996E-13 : f32
        %add3A_296 = vector.broadcast %add3A_295 : f32 to vector<16xf32>
        %add3A_297 = arith.addf %mul3A_294, %add3A_296 : vector<16xf32>
        %bitcast3A_298 = vector.bitcast %add3A_297 : vector<16xf32> to vector<16xi32>
        %broadcast_in_dim3A_299 = arith.constant 1597463007 : i32
        %broadcast_in_dim3A_300 = vector.broadcast %broadcast_in_dim3A_299 : i32 to vector<16xi32>
        %shift_right_logical3A_301 = arith.constant 1 : i32
        %shift_right_logical3A_302 = vector.broadcast %shift_right_logical3A_301 : i32 to vector<16xi32>
        %shift_right_logical3A_303 = arith.shrui %bitcast3A_298, %shift_right_logical3A_302 : vector<16xi32>
        %sub3A_304 = arith.subi %broadcast_in_dim3A_300, %shift_right_logical3A_303 : vector<16xi32>
        %bitcast3A_305 = vector.bitcast %sub3A_304 : vector<16xi32> to vector<16xf32>
        %mul3A_306 = arith.constant 5.000000e-01 : f32
        %mul3A_307 = vector.broadcast %mul3A_306 : f32 to vector<16xf32>
        %mul3A_308 = arith.mulf %mul3A_307, %add3A_297 : vector<16xf32>
        %mul3A_309 = arith.mulf %mul3A_308, %bitcast3A_305 : vector<16xf32>
        %mul3A_310 = arith.mulf %mul3A_309, %bitcast3A_305 : vector<16xf32>
        %sub3A_311 = arith.constant 1.500000e+00 : f32
        %sub3A_312 = vector.broadcast %sub3A_311 : f32 to vector<16xf32>
        %sub3A_313 = arith.subf %sub3A_312, %mul3A_310 : vector<16xf32>
        %mul3A_314 = arith.mulf %bitcast3A_305, %sub3A_313 : vector<16xf32>
        %mul3A_315 = arith.constant 5.000000e-01 : f32
        %mul3A_316 = vector.broadcast %mul3A_315 : f32 to vector<16xf32>
        %mul3A_317 = arith.mulf %mul3A_316, %add3A_297 : vector<16xf32>
        %mul3A_318 = arith.mulf %mul3A_317, %mul3A_314 : vector<16xf32>
        %mul3A_319 = arith.mulf %mul3A_318, %mul3A_314 : vector<16xf32>
        %sub3A_320 = arith.constant 1.500000e+00 : f32
        %sub3A_321 = vector.broadcast %sub3A_320 : f32 to vector<16xf32>
        %sub3A_322 = arith.subf %sub3A_321, %mul3A_319 : vector<16xf32>
        %mul3A_323 = arith.mulf %mul3A_314, %sub3A_322 : vector<16xf32>
        %mul3A_324 = arith.constant 5.000000e-01 : f32
        %mul3A_325 = vector.broadcast %mul3A_324 : f32 to vector<16xf32>
        %mul3A_326 = arith.mulf %mul3A_325, %add3A_297 : vector<16xf32>
        %mul3A_327 = arith.mulf %mul3A_326, %mul3A_323 : vector<16xf32>
        %mul3A_328 = arith.mulf %mul3A_327, %mul3A_323 : vector<16xf32>
        %sub3A_329 = arith.constant 1.500000e+00 : f32
        %sub3A_330 = vector.broadcast %sub3A_329 : f32 to vector<16xf32>
        %sub3A_331 = arith.subf %sub3A_330, %mul3A_328 : vector<16xf32>
        %mul3A_332 = arith.mulf %mul3A_323, %sub3A_331 : vector<16xf32>
        %mul3A_333 = arith.constant 5.000000e-01 : f32
        %mul3A_334 = vector.broadcast %mul3A_333 : f32 to vector<16xf32>
        %mul3A_335 = arith.mulf %mul3A_334, %add3A_297 : vector<16xf32>
        %mul3A_336 = arith.mulf %mul3A_335, %mul3A_332 : vector<16xf32>
        %mul3A_337 = arith.mulf %mul3A_336, %mul3A_332 : vector<16xf32>
        %sub3A_338 = arith.constant 1.500000e+00 : f32
        %sub3A_339 = vector.broadcast %sub3A_338 : f32 to vector<16xf32>
        %sub3A_340 = arith.subf %sub3A_339, %mul3A_337 : vector<16xf32>
        %mul3A_341 = arith.mulf %mul3A_332, %sub3A_340 : vector<16xf32>
        %parallel_loop3A_342 = arith.constant 0 : i32
        %parallel_loop3A_343 = arith.constant 64 : i32
        %parallel_loop3A_344 = arith.constant 1 : i32
        scf.for %parallel_loop3A_346 = %parallel_loop3A_342 to %parallel_loop3A_343 step %parallel_loop3A_344  : i32 {
          %parallel_loop3A_347 = arith.constant 16 : i32
          %parallel_loop3A_348 = arith.muli %parallel_loop3A_346, %parallel_loop3A_347 : i32
          %parallel_loop3A_349 = arith.addi %add3A_178, %parallel_loop3A_348 : i32
          %parallel_loop3A_350 = arith.constant 16 : i32
          %parallel_loop3A_351 = arith.muli %parallel_loop3A_346, %parallel_loop3A_350 : i32
          %parallel_loop3A_352 = arith.index_cast %parallel_loop3A_351 : i32 to index
          %parallel_loop3A_353 = tpu.vector_load %arg10[%parallel_loop3A_352] {strides = array<i32>} : memref<1024xf32, #tpu.memory_space<vmem>>, vector<16xf32>,
          %parallel_loop3A_354 = arith.index_cast %parallel_loop3A_349 : i32 to index
          %parallel_loop3A_355 = tpu.vector_load %arg7[%parallel_loop3A_354] {strides = array<i32>} : memref<32768xf32, #tpu.memory_space<vmem>>, vector<16xf32>,
          %parallel_loop3A_356 = arith.subf %parallel_loop3A_355, %mul3A_216 : vector<16xf32>
          %parallel_loop3A_357 = arith.mulf %parallel_loop3A_356, %mul3A_341 : vector<16xf32>
          %parallel_loop3A_358 = arith.mulf %parallel_loop3A_353, %parallel_loop3A_357 : vector<16xf32>
          %parallel_loop3A_359 = arith.index_cast %parallel_loop3A_351 : i32 to index
          %parallel_loop3A_360 = tpu.vector_load %arg11[%parallel_loop3A_359] {strides = array<i32>} : memref<1024xf32, #tpu.memory_space<vmem>>, vector<16xf32>,
          %parallel_loop3A_361 = arith.addf %parallel_loop3A_358, %parallel_loop3A_360 : vector<16xf32>
          %parallel_loop3A_362 = arith.index_cast %parallel_loop3A_349 : i32 to index
          %parallel_loop3A_363 = tpu.vector_load %arg9[%parallel_loop3A_362] {strides = array<i32>} : memref<32768xf32, #tpu.memory_space<vmem>>, vector<16xf32>,
          tpu.vector_store %arg9[%parallel_loop3A_362], %parallel_loop3A_361 {strides = array<i32>} : memref<32768xf32, #tpu.memory_space<vmem>>, vector<16xf32>,
        } {sc.loop_unroll_factor = 4 : i64, sc.parallel_access}
        %scan3A_345 = arith.constant 0 : i32
        scf.yield %scan3A_345 : i32
      }
      %scan3A_120 = arith.constant 16 : i32
      %dma_start3A_121 = arith.constant 0 : i32
      %dma_start3A_122 = tpu.memref_slice %arg9[%dma_start3A_121] : memref<32768xf32, #tpu.memory_space<vmem>> -> memref<16384xf32, #tpu.memory_space<vmem>>
      %dma_start3A_123 = tpu.memref_slice %arg6[%mul3A_99] : memref<33554432xf32, #tpu.memory_space<hbm>> -> memref<16384xf32, #tpu.memory_space<hbm>>
      %dma_start3A_124 = tpu.memref_slice %arg6[%mul3A_99] : memref<33554432xf32, #tpu.memory_space<hbm>> -> memref<16384xf32, #tpu.memory_space<hbm>>
      %dma_start3A_125 = arith.constant 0 : i32
      %dma_start3A_126 = tpu.memref_slice %arg9[%dma_start3A_125] : memref<32768xf32, #tpu.memory_space<vmem>> -> memref<16384xf32, #tpu.memory_space<vmem>>
      tpu.enqueue_dma source(%dma_start3A_126 : memref<16384xf32, #tpu.memory_space<vmem>>) target(%dma_start3A_124 : memref<16384xf32, #tpu.memory_space<hbm>>) target_semaphore(%arg15 : memref<!tpu.dma_semaphore, #tpu.memory_space<semaphore_mem>>)
      %lt3A = arith.constant 31 : i32
      %lt3A_127 = arith.cmpi slt, %scan3A_60, %lt3A : i32
      %convert_element_type3A_128 = arith.extui %lt3A_127 : i1 to i32
      %cond3A_129 = arith.constant 0 : i32
      %cond3A_130 = arith.cmpi ne, %convert_element_type3A_128, %cond3A_129 : i32
      scf.if %cond3A_130 {
        %add3A_173 = arith.constant 2 : i32
        %add3A_174 = arith.addi %mul3A_63, %add3A_173 : i32
        %mul3A_175 = arith.constant 16 : i32
        %mul3A_176 = arith.muli %add3A_174, %mul3A_175 : i32
        %add3A_177 = arith.addi %mul3A_2, %mul3A_176 : i32
        %rem3A_178 = arith.constant 8192 : i32
        %rem3A_179 = arith.remsi %add3A_177, %rem3A_178 : i32
        %mul3A_180 = arith.constant 1024 : i32
        %mul3A_181 = arith.muli %add3A_177, %mul3A_180 : i32
        %mul3A_182 = arith.constant 1024 : i32
        %mul3A_183 = arith.muli %rem3A_179, %mul3A_182 : i32
        %mul3A_184 = arith.constant 1024 : i32
        %mul3A_185 = arith.muli %add3A_177, %mul3A_184 : i32
        %dma_start3A_186 = arith.constant 0 : i32
        %dma_start3A_187 = tpu.memref_slice %arg7[%dma_start3A_186] : memref<32768xf32, #tpu.memory_space<vmem>> -> memref<16384xf32, #tpu.memory_space<vmem>>
        %dma_start3A_188 = tpu.memref_slice %arg2[%mul3A_181] : memref<33554432xf32, #tpu.memory_space<hbm>> -> memref<16384xf32, #tpu.memory_space<hbm>>
        %dma_start3A_189 = arith.constant 0 : i32
        %dma_start3A_190 = tpu.memref_slice %arg7[%dma_start3A_189] : memref<32768xf32, #tpu.memory_space<vmem>> -> memref<16384xf32, #tpu.memory_space<vmem>>
        %dma_start3A_191 = tpu.memref_slice %arg2[%mul3A_181] : memref<33554432xf32, #tpu.memory_space<hbm>> -> memref<16384xf32, #tpu.memory_space<hbm>>
        tpu.enqueue_dma source(%dma_start3A_191 : memref<16384xf32, #tpu.memory_space<hbm>>) target(%dma_start3A_190 : memref<16384xf32, #tpu.memory_space<vmem>>) target_semaphore(%arg13 : memref<!tpu.dma_semaphore, #tpu.memory_space<semaphore_mem>>)
        %dma_start3A_192 = arith.constant 0 : i32
        %dma_start3A_193 = tpu.memref_slice %arg8[%dma_start3A_192] : memref<32768xf32, #tpu.memory_space<vmem>> -> memref<16384xf32, #tpu.memory_space<vmem>>
        %dma_start3A_194 = tpu.memref_slice %arg3[%mul3A_183] : memref<8388608xf32, #tpu.memory_space<hbm>> -> memref<16384xf32, #tpu.memory_space<hbm>>
        %dma_start3A_195 = arith.constant 0 : i32
        %dma_start3A_196 = tpu.memref_slice %arg8[%dma_start3A_195] : memref<32768xf32, #tpu.memory_space<vmem>> -> memref<16384xf32, #tpu.memory_space<vmem>>
        %dma_start3A_197 = tpu.memref_slice %arg3[%mul3A_183] : memref<8388608xf32, #tpu.memory_space<hbm>> -> memref<16384xf32, #tpu.memory_space<hbm>>
        tpu.enqueue_dma source(%dma_start3A_197 : memref<16384xf32, #tpu.memory_space<hbm>>) target(%dma_start3A_196 : memref<16384xf32, #tpu.memory_space<vmem>>) target_semaphore(%arg14 : memref<!tpu.dma_semaphore, #tpu.memory_space<semaphore_mem>>)
      } else {
      }
      %mul3A_131 = arith.constant 16 : i32
      %mul3A_132 = arith.muli %add3A_65, %mul3A_131 : i32
      %add3A_133 = arith.addi %mul3A_2, %mul3A_132 : i32
      %rem3A_134 = arith.constant 8192 : i32
      %rem3A_135 = arith.remsi %add3A_133, %rem3A_134 : i32
      %mul3A_136 = arith.constant 1024 : i32
      %mul3A_137 = arith.muli %add3A_133, %mul3A_136 : i32
      %mul3A_138 = arith.constant 1024 : i32
      %mul3A_139 = arith.muli %rem3A_135, %mul3A_138 : i32
      %mul3A_140 = arith.constant 1024 : i32
      %mul3A_141 = arith.muli %add3A_133, %mul3A_140 : i32
      %dma_wait3A_142 = arith.constant 16384 : i32
      %dma_wait3A_143 = tpu.memref_slice %arg7[%dma_wait3A_142] : memref<32768xf32, #tpu.memory_space<vmem>> -> memref<16384xf32, #tpu.memory_space<vmem>>
      %dma_wait3A_144 = tpu.memref_slice %arg2[%mul3A_137] : memref<33554432xf32, #tpu.memory_space<hbm>> -> memref<16384xf32, #tpu.memory_space<hbm>>
      %dma_wait3A_145 = arith.constant 16384 : i32
      %dma_wait3A_146 = tpu.memref_slice %arg7[%dma_wait3A_145] : memref<32768xf32, #tpu.memory_space<vmem>> -> memref<16384xf32, #tpu.memory_space<vmem>>
      %dma_wait3A_147 = tpu.memref_slice %arg2[%mul3A_137] : memref<33554432xf32, #tpu.memory_space<hbm>> -> memref<16384xf32, #tpu.memory_space<hbm>>
      tpu.wait_dma2 semaphore(%arg16 : memref<!tpu.dma_semaphore, #tpu.memory_space<semaphore_mem>>) src(%dma_wait3A_147 : memref<16384xf32, #tpu.memory_space<hbm>>) dst(%dma_wait3A_146 : memref<16384xf32, #tpu.memory_space<vmem>>)
      %dma_wait3A_148 = arith.constant 16384 : i32
      %dma_wait3A_149 = tpu.memref_slice %arg8[%dma_wait3A_148] : memref<32768xf32, #tpu.memory_space<vmem>> -> memref<16384xf32, #tpu.memory_space<vmem>>
      %dma_wait3A_150 = tpu.memref_slice %arg3[%mul3A_139] : memref<8388608xf32, #tpu.memory_space<hbm>> -> memref<16384xf32, #tpu.memory_space<hbm>>
      %dma_wait3A_151 = arith.constant 16384 : i32
      %dma_wait3A_152 = tpu.memref_slice %arg8[%dma_wait3A_151] : memref<32768xf32, #tpu.memory_space<vmem>> -> memref<16384xf32, #tpu.memory_space<vmem>>
      %dma_wait3A_153 = tpu.memref_slice %arg3[%mul3A_139] : memref<8388608xf32, #tpu.memory_space<hbm>> -> memref<16384xf32, #tpu.memory_space<hbm>>
      tpu.wait_dma2 semaphore(%arg17 : memref<!tpu.dma_semaphore, #tpu.memory_space<semaphore_mem>>) src(%dma_wait3A_153 : memref<16384xf32, #tpu.memory_space<hbm>>) dst(%dma_wait3A_152 : memref<16384xf32, #tpu.memory_space<vmem>>)
      %gt3A_154 = arith.constant 0 : i32
      %gt3A_155 = arith.cmpi sgt, %scan3A_60, %gt3A_154 : i32
      %convert_element_type3A_156 = arith.extui %gt3A_155 : i1 to i32
      %cond3A_157 = arith.constant 0 : i32
      %cond3A_158 = arith.cmpi ne, %convert_element_type3A_156, %cond3A_157 : i32
      scf.if %cond3A_158 {
        %dma_wait3A_173 = arith.constant 16384 : i32
        %dma_wait3A_174 = tpu.memref_slice %arg9[%dma_wait3A_173] : memref<32768xf32, #tpu.memory_space<vmem>> -> memref<16384xf32, #tpu.memory_space<vmem>>
        %dma_wait3A_175 = tpu.memref_slice %arg6[%mul3A_141] : memref<33554432xf32, #tpu.memory_space<hbm>> -> memref<16384xf32, #tpu.memory_space<hbm>>
        %dma_wait3A_176 = tpu.memref_slice %arg6[%mul3A_141] : memref<33554432xf32, #tpu.memory_space<hbm>> -> memref<16384xf32, #tpu.memory_space<hbm>>
        %dma_wait3A_177 = arith.constant 16384 : i32
        %dma_wait3A_178 = tpu.memref_slice %arg9[%dma_wait3A_177] : memref<32768xf32, #tpu.memory_space<vmem>> -> memref<16384xf32, #tpu.memory_space<vmem>>
        tpu.wait_dma2 semaphore(%arg18 : memref<!tpu.dma_semaphore, #tpu.memory_space<semaphore_mem>>) src(%dma_wait3A_178 : memref<16384xf32, #tpu.memory_space<vmem>>) dst(%dma_wait3A_176 : memref<16384xf32, #tpu.memory_space<hbm>>)
      } else {
      }
      %scan3A_159 = arith.constant 0 : i32
      %scan3A_160 = arith.constant 0 : i32
      %scan3A_161 = arith.constant 16 : i32
      %scan3A_162 = arith.addi %scan3A_160, %scan3A_161 : i32
      %scan3A_163 = arith.constant 1 : i32
      %scan3A_164 = scf.for %scan3A_173 = %scan3A_160 to %scan3A_162 step %scan3A_163 iter_args(%scan3A_174 = %scan3A_159) -> (i32)  : i32 {
        %mul3A_175 = arith.constant 1024 : i32
        %mul3A_176 = arith.muli %scan3A_173, %mul3A_175 : i32
        %add3A_177 = arith.constant 16384 : i32
        %add3A_178 = arith.addi %add3A_177, %mul3A_176 : i32
        %broadcast_in_dim3A = arith.constant 0.000000e+00 : f32
        %broadcast_in_dim3A_179 = vector.broadcast %broadcast_in_dim3A : f32 to vector<16xf32>
        %parallel_loop3A = arith.constant 0 : i32
        %parallel_loop3A_180 = arith.constant 16 : i32
        %parallel_loop3A_181 = arith.constant 1 : i32
        %parallel_loop3A_182:8 = scf.for %parallel_loop3A_346 = %parallel_loop3A to %parallel_loop3A_180 step %parallel_loop3A_181 iter_args(%parallel_loop3A_347 = %broadcast_in_dim3A_179, %parallel_loop3A_348 = %broadcast_in_dim3A_179, %parallel_loop3A_349 = %broadcast_in_dim3A_179, %parallel_loop3A_350 = %broadcast_in_dim3A_179, %parallel_loop3A_351 = %broadcast_in_dim3A_179, %parallel_loop3A_352 = %broadcast_in_dim3A_179, %parallel_loop3A_353 = %broadcast_in_dim3A_179, %parallel_loop3A_354 = %broadcast_in_dim3A_179) -> (vector<16xf32>, vector<16xf32>, vector<16xf32>, vector<16xf32>, vector<16xf32>, vector<16xf32>, vector<16xf32>, vector<16xf32>)  : i32 {
          %parallel_loop3A_355 = arith.constant 64 : i32
          %parallel_loop3A_356 = arith.muli %parallel_loop3A_346, %parallel_loop3A_355 : i32
          %parallel_loop3A_357 = arith.addi %add3A_178, %parallel_loop3A_356 : i32
          %parallel_loop3A_358 = arith.constant 0 : i32
          %parallel_loop3A_359 = arith.addi %parallel_loop3A_357, %parallel_loop3A_358 : i32
          %parallel_loop3A_360 = arith.index_cast %parallel_loop3A_359 : i32 to index
          %parallel_loop3A_361 = tpu.vector_load %arg7[%parallel_loop3A_360] {strides = array<i32>} : memref<32768xf32, #tpu.memory_space<vmem>>, vector<16xf32>,
          %parallel_loop3A_362 = arith.index_cast %parallel_loop3A_359 : i32 to index
          %parallel_loop3A_363 = tpu.vector_load %arg8[%parallel_loop3A_362] {strides = array<i32>} : memref<32768xf32, #tpu.memory_space<vmem>>, vector<16xf32>,
          %parallel_loop3A_364 = arith.addf %parallel_loop3A_361, %parallel_loop3A_363 : vector<16xf32>
          %parallel_loop3A_365 = arith.index_cast %parallel_loop3A_359 : i32 to index
          %parallel_loop3A_366 = tpu.vector_load %arg7[%parallel_loop3A_365] {strides = array<i32>} : memref<32768xf32, #tpu.memory_space<vmem>>, vector<16xf32>,
          tpu.vector_store %arg7[%parallel_loop3A_365], %parallel_loop3A_364 {strides = array<i32>} : memref<32768xf32, #tpu.memory_space<vmem>>, vector<16xf32>,
          %parallel_loop3A_367 = arith.addf %parallel_loop3A_347, %parallel_loop3A_364 : vector<16xf32>
          %parallel_loop3A_368 = arith.mulf %parallel_loop3A_364, %parallel_loop3A_364 : vector<16xf32>
          %parallel_loop3A_369 = arith.addf %parallel_loop3A_351, %parallel_loop3A_368 : vector<16xf32>
          %parallel_loop3A_370 = arith.constant 16 : i32
          %parallel_loop3A_371 = arith.addi %parallel_loop3A_357, %parallel_loop3A_370 : i32
          %parallel_loop3A_372 = arith.index_cast %parallel_loop3A_371 : i32 to index
          %parallel_loop3A_373 = tpu.vector_load %arg7[%parallel_loop3A_372] {strides = array<i32>} : memref<32768xf32, #tpu.memory_space<vmem>>, vector<16xf32>,
          %parallel_loop3A_374 = arith.index_cast %parallel_loop3A_371 : i32 to index
          %parallel_loop3A_375 = tpu.vector_load %arg8[%parallel_loop3A_374] {strides = array<i32>} : memref<32768xf32, #tpu.memory_space<vmem>>, vector<16xf32>,
          %parallel_loop3A_376 = arith.addf %parallel_loop3A_373, %parallel_loop3A_375 : vector<16xf32>
          %parallel_loop3A_377 = arith.index_cast %parallel_loop3A_371 : i32 to index
          %parallel_loop3A_378 = tpu.vector_load %arg7[%parallel_loop3A_377] {strides = array<i32>} : memref<32768xf32, #tpu.memory_space<vmem>>, vector<16xf32>,
          tpu.vector_store %arg7[%parallel_loop3A_377], %parallel_loop3A_376 {strides = array<i32>} : memref<32768xf32, #tpu.memory_space<vmem>>, vector<16xf32>,
          %parallel_loop3A_379 = arith.addf %parallel_loop3A_348, %parallel_loop3A_376 : vector<16xf32>
          %parallel_loop3A_380 = arith.mulf %parallel_loop3A_376, %parallel_loop3A_376 : vector<16xf32>
          %parallel_loop3A_381 = arith.addf %parallel_loop3A_352, %parallel_loop3A_380 : vector<16xf32>
          %parallel_loop3A_382 = arith.constant 32 : i32
          %parallel_loop3A_383 = arith.addi %parallel_loop3A_357, %parallel_loop3A_382 : i32
          %parallel_loop3A_384 = arith.index_cast %parallel_loop3A_383 : i32 to index
          %parallel_loop3A_385 = tpu.vector_load %arg7[%parallel_loop3A_384] {strides = array<i32>} : memref<32768xf32, #tpu.memory_space<vmem>>, vector<16xf32>,
          %parallel_loop3A_386 = arith.index_cast %parallel_loop3A_383 : i32 to index
          %parallel_loop3A_387 = tpu.vector_load %arg8[%parallel_loop3A_386] {strides = array<i32>} : memref<32768xf32, #tpu.memory_space<vmem>>, vector<16xf32>,
          %parallel_loop3A_388 = arith.addf %parallel_loop3A_385, %parallel_loop3A_387 : vector<16xf32>
          %parallel_loop3A_389 = arith.index_cast %parallel_loop3A_383 : i32 to index
          %parallel_loop3A_390 = tpu.vector_load %arg7[%parallel_loop3A_389] {strides = array<i32>} : memref<32768xf32, #tpu.memory_space<vmem>>, vector<16xf32>,
          tpu.vector_store %arg7[%parallel_loop3A_389], %parallel_loop3A_388 {strides = array<i32>} : memref<32768xf32, #tpu.memory_space<vmem>>, vector<16xf32>,
          %parallel_loop3A_391 = arith.addf %parallel_loop3A_349, %parallel_loop3A_388 : vector<16xf32>
          %parallel_loop3A_392 = arith.mulf %parallel_loop3A_388, %parallel_loop3A_388 : vector<16xf32>
          %parallel_loop3A_393 = arith.addf %parallel_loop3A_353, %parallel_loop3A_392 : vector<16xf32>
          %parallel_loop3A_394 = arith.constant 48 : i32
          %parallel_loop3A_395 = arith.addi %parallel_loop3A_357, %parallel_loop3A_394 : i32
          %parallel_loop3A_396 = arith.index_cast %parallel_loop3A_395 : i32 to index
          %parallel_loop3A_397 = tpu.vector_load %arg7[%parallel_loop3A_396] {strides = array<i32>} : memref<32768xf32, #tpu.memory_space<vmem>>, vector<16xf32>,
          %parallel_loop3A_398 = arith.index_cast %parallel_loop3A_395 : i32 to index
          %parallel_loop3A_399 = tpu.vector_load %arg8[%parallel_loop3A_398] {strides = array<i32>} : memref<32768xf32, #tpu.memory_space<vmem>>, vector<16xf32>,
          %parallel_loop3A_400 = arith.addf %parallel_loop3A_397, %parallel_loop3A_399 : vector<16xf32>
          %parallel_loop3A_401 = arith.index_cast %parallel_loop3A_395 : i32 to index
          %parallel_loop3A_402 = tpu.vector_load %arg7[%parallel_loop3A_401] {strides = array<i32>} : memref<32768xf32, #tpu.memory_space<vmem>>, vector<16xf32>,
          tpu.vector_store %arg7[%parallel_loop3A_401], %parallel_loop3A_400 {strides = array<i32>} : memref<32768xf32, #tpu.memory_space<vmem>>, vector<16xf32>,
          %parallel_loop3A_403 = arith.addf %parallel_loop3A_350, %parallel_loop3A_400 : vector<16xf32>
          %parallel_loop3A_404 = arith.mulf %parallel_loop3A_400, %parallel_loop3A_400 : vector<16xf32>
          %parallel_loop3A_405 = arith.addf %parallel_loop3A_354, %parallel_loop3A_404 : vector<16xf32>
          scf.yield %parallel_loop3A_367, %parallel_loop3A_379, %parallel_loop3A_391, %parallel_loop3A_403, %parallel_loop3A_369, %parallel_loop3A_381, %parallel_loop3A_393, %parallel_loop3A_405 : vector<16xf32>, vector<16xf32>, vector<16xf32>, vector<16xf32>, vector<16xf32>, vector<16xf32>, vector<16xf32>, vector<16xf32>
        } {sc.loop_unroll_factor = 2 : i64, sc.parallel_access}
        %add3A_183 = arith.addf %parallel_loop3A_182#0, %parallel_loop3A_182#1 : vector<16xf32>
        %add3A_184 = arith.addf %parallel_loop3A_182#2, %parallel_loop3A_182#3 : vector<16xf32>
        %add3A_185 = arith.addf %add3A_183, %add3A_184 : vector<16xf32>
        %add3A_186 = arith.addf %parallel_loop3A_182#4, %parallel_loop3A_182#5 : vector<16xf32>
        %add3A_187 = arith.addf %parallel_loop3A_182#6, %parallel_loop3A_182#7 : vector<16xf32>
        %add3A_188 = arith.addf %add3A_186, %add3A_187 : vector<16xf32>
        %iota3A = tpu.iota {dimensions = array<i32: 0>} : vector<16xi32>
        %swap3A = arith.constant 0 : index
        %swap3A_189 = tpu.vector_load %arg12[%swap3A] {strides = array<i32>} : memref<16xf32, #tpu.memory_space<vmem>>, vector<16xf32>,
        tpu.vector_store %arg12[%swap3A], %add3A_185 {strides = array<i32>} : memref<16xf32, #tpu.memory_space<vmem>>, vector<16xf32>,
        %xor3A = arith.constant 8 : i32
        %xor3A_190 = vector.broadcast %xor3A : i32 to vector<16xi32>
        %xor3A_191 = arith.xori %iota3A, %xor3A_190 : vector<16xi32>
        %gather3A = tpu.vector_load_idx %arg12[%xor3A_191] : memref<16xf32, #tpu.memory_space<vmem>>[vector<16xi32>], vector<16xf32>,
        %add3A_192 = arith.addf %add3A_185, %gather3A : vector<16xf32>
        %swap3A_193 = arith.constant 0 : index
        %swap3A_194 = tpu.vector_load %arg12[%swap3A_193] {strides = array<i32>} : memref<16xf32, #tpu.memory_space<vmem>>, vector<16xf32>,
        tpu.vector_store %arg12[%swap3A_193], %add3A_192 {strides = array<i32>} : memref<16xf32, #tpu.memory_space<vmem>>, vector<16xf32>,
        %xor3A_195 = arith.constant 4 : i32
        %xor3A_196 = vector.broadcast %xor3A_195 : i32 to vector<16xi32>
        %xor3A_197 = arith.xori %iota3A, %xor3A_196 : vector<16xi32>
        %gather3A_198 = tpu.vector_load_idx %arg12[%xor3A_197] : memref<16xf32, #tpu.memory_space<vmem>>[vector<16xi32>], vector<16xf32>,
        %add3A_199 = arith.addf %add3A_192, %gather3A_198 : vector<16xf32>
        %swap3A_200 = arith.constant 0 : index
        %swap3A_201 = tpu.vector_load %arg12[%swap3A_200] {strides = array<i32>} : memref<16xf32, #tpu.memory_space<vmem>>, vector<16xf32>,
        tpu.vector_store %arg12[%swap3A_200], %add3A_199 {strides = array<i32>} : memref<16xf32, #tpu.memory_space<vmem>>, vector<16xf32>,
        %xor3A_202 = arith.constant 2 : i32
        %xor3A_203 = vector.broadcast %xor3A_202 : i32 to vector<16xi32>
        %xor3A_204 = arith.xori %iota3A, %xor3A_203 : vector<16xi32>
        %gather3A_205 = tpu.vector_load_idx %arg12[%xor3A_204] : memref<16xf32, #tpu.memory_space<vmem>>[vector<16xi32>], vector<16xf32>,
        %add3A_206 = arith.addf %add3A_199, %gather3A_205 : vector<16xf32>
        %swap3A_207 = arith.constant 0 : index
        %swap3A_208 = tpu.vector_load %arg12[%swap3A_207] {strides = array<i32>} : memref<16xf32, #tpu.memory_space<vmem>>, vector<16xf32>,
        tpu.vector_store %arg12[%swap3A_207], %add3A_206 {strides = array<i32>} : memref<16xf32, #tpu.memory_space<vmem>>, vector<16xf32>,
        %xor3A_209 = arith.constant 1 : i32
        %xor3A_210 = vector.broadcast %xor3A_209 : i32 to vector<16xi32>
        %xor3A_211 = arith.xori %iota3A, %xor3A_210 : vector<16xi32>
        %gather3A_212 = tpu.vector_load_idx %arg12[%xor3A_211] : memref<16xf32, #tpu.memory_space<vmem>>[vector<16xi32>], vector<16xf32>,
        %add3A_213 = arith.addf %add3A_206, %gather3A_212 : vector<16xf32>
        %mul3A_214 = arith.constant 9.765625E-4 : f32
        %mul3A_215 = vector.broadcast %mul3A_214 : f32 to vector<16xf32>
        %mul3A_216 = arith.mulf %add3A_213, %mul3A_215 : vector<16xf32>
        %iota3A_217 = tpu.iota {dimensions = array<i32: 0>} : vector<16xi32>
        %swap3A_218 = arith.constant 0 : index
        %swap3A_219 = tpu.vector_load %arg12[%swap3A_218] {strides = array<i32>} : memref<16xf32, #tpu.memory_space<vmem>>, vector<16xf32>,
        tpu.vector_store %arg12[%swap3A_218], %add3A_188 {strides = array<i32>} : memref<16xf32, #tpu.memory_space<vmem>>, vector<16xf32>,
        %xor3A_220 = arith.constant 8 : i32
        %xor3A_221 = vector.broadcast %xor3A_220 : i32 to vector<16xi32>
        %xor3A_222 = arith.xori %iota3A_217, %xor3A_221 : vector<16xi32>
        %gather3A_223 = tpu.vector_load_idx %arg12[%xor3A_222] : memref<16xf32, #tpu.memory_space<vmem>>[vector<16xi32>], vector<16xf32>,
        %add3A_224 = arith.addf %add3A_188, %gather3A_223 : vector<16xf32>
        %swap3A_225 = arith.constant 0 : index
        %swap3A_226 = tpu.vector_load %arg12[%swap3A_225] {strides = array<i32>} : memref<16xf32, #tpu.memory_space<vmem>>, vector<16xf32>,
        tpu.vector_store %arg12[%swap3A_225], %add3A_224 {strides = array<i32>} : memref<16xf32, #tpu.memory_space<vmem>>, vector<16xf32>,
        %xor3A_227 = arith.constant 4 : i32
        %xor3A_228 = vector.broadcast %xor3A_227 : i32 to vector<16xi32>
        %xor3A_229 = arith.xori %iota3A_217, %xor3A_228 : vector<16xi32>
        %gather3A_230 = tpu.vector_load_idx %arg12[%xor3A_229] : memref<16xf32, #tpu.memory_space<vmem>>[vector<16xi32>], vector<16xf32>,
        %add3A_231 = arith.addf %add3A_224, %gather3A_230 : vector<16xf32>
        %swap3A_232 = arith.constant 0 : index
        %swap3A_233 = tpu.vector_load %arg12[%swap3A_232] {strides = array<i32>} : memref<16xf32, #tpu.memory_space<vmem>>, vector<16xf32>,
        tpu.vector_store %arg12[%swap3A_232], %add3A_231 {strides = array<i32>} : memref<16xf32, #tpu.memory_space<vmem>>, vector<16xf32>,
        %xor3A_234 = arith.constant 2 : i32
        %xor3A_235 = vector.broadcast %xor3A_234 : i32 to vector<16xi32>
        %xor3A_236 = arith.xori %iota3A_217, %xor3A_235 : vector<16xi32>
        %gather3A_237 = tpu.vector_load_idx %arg12[%xor3A_236] : memref<16xf32, #tpu.memory_space<vmem>>[vector<16xi32>], vector<16xf32>,
        %add3A_238 = arith.addf %add3A_231, %gather3A_237 : vector<16xf32>
        %swap3A_239 = arith.constant 0 : index
        %swap3A_240 = tpu.vector_load %arg12[%swap3A_239] {strides = array<i32>} : memref<16xf32, #tpu.memory_space<vmem>>, vector<16xf32>,
        tpu.vector_store %arg12[%swap3A_239], %add3A_238 {strides = array<i32>} : memref<16xf32, #tpu.memory_space<vmem>>, vector<16xf32>,
        %xor3A_241 = arith.constant 1 : i32
        %xor3A_242 = vector.broadcast %xor3A_241 : i32 to vector<16xi32>
        %xor3A_243 = arith.xori %iota3A_217, %xor3A_242 : vector<16xi32>
        %gather3A_244 = tpu.vector_load_idx %arg12[%xor3A_243] : memref<16xf32, #tpu.memory_space<vmem>>[vector<16xi32>], vector<16xf32>,
        %add3A_245 = arith.addf %add3A_238, %gather3A_244 : vector<16xf32>
        %mul3A_246 = arith.constant 9.765625E-4 : f32
        %mul3A_247 = vector.broadcast %mul3A_246 : f32 to vector<16xf32>
        %mul3A_248 = arith.mulf %add3A_245, %mul3A_247 : vector<16xf32>
        %mul3A_249 = arith.mulf %mul3A_216, %mul3A_216 : vector<16xf32>
        %sub3A = arith.subf %mul3A_248, %mul3A_249 : vector<16xf32>
        %max3A = arith.constant 0.000000e+00 : f32
        %max3A_250 = vector.broadcast %max3A : f32 to vector<16xf32>
        %max3A_251 = arith.maximumf %sub3A, %max3A_250 : vector<16xf32>
        %bitcast3A = vector.bitcast %max3A_251 : vector<16xf32> to vector<16xi32>
        %broadcast_in_dim3A_252 = arith.constant 1597463007 : i32
        %broadcast_in_dim3A_253 = vector.broadcast %broadcast_in_dim3A_252 : i32 to vector<16xi32>
        %shift_right_logical3A = arith.constant 1 : i32
        %shift_right_logical3A_254 = vector.broadcast %shift_right_logical3A : i32 to vector<16xi32>
        %shift_right_logical3A_255 = arith.shrui %bitcast3A, %shift_right_logical3A_254 : vector<16xi32>
        %sub3A_256 = arith.subi %broadcast_in_dim3A_253, %shift_right_logical3A_255 : vector<16xi32>
        %bitcast3A_257 = vector.bitcast %sub3A_256 : vector<16xi32> to vector<16xf32>
        %mul3A_258 = arith.constant 5.000000e-01 : f32
        %mul3A_259 = vector.broadcast %mul3A_258 : f32 to vector<16xf32>
        %mul3A_260 = arith.mulf %mul3A_259, %max3A_251 : vector<16xf32>
        %mul3A_261 = arith.mulf %mul3A_260, %bitcast3A_257 : vector<16xf32>
        %mul3A_262 = arith.mulf %mul3A_261, %bitcast3A_257 : vector<16xf32>
        %sub3A_263 = arith.constant 1.500000e+00 : f32
        %sub3A_264 = vector.broadcast %sub3A_263 : f32 to vector<16xf32>
        %sub3A_265 = arith.subf %sub3A_264, %mul3A_262 : vector<16xf32>
        %mul3A_266 = arith.mulf %bitcast3A_257, %sub3A_265 : vector<16xf32>
        %mul3A_267 = arith.constant 5.000000e-01 : f32
        %mul3A_268 = vector.broadcast %mul3A_267 : f32 to vector<16xf32>
        %mul3A_269 = arith.mulf %mul3A_268, %max3A_251 : vector<16xf32>
        %mul3A_270 = arith.mulf %mul3A_269, %mul3A_266 : vector<16xf32>
        %mul3A_271 = arith.mulf %mul3A_270, %mul3A_266 : vector<16xf32>
        %sub3A_272 = arith.constant 1.500000e+00 : f32
        %sub3A_273 = vector.broadcast %sub3A_272 : f32 to vector<16xf32>
        %sub3A_274 = arith.subf %sub3A_273, %mul3A_271 : vector<16xf32>
        %mul3A_275 = arith.mulf %mul3A_266, %sub3A_274 : vector<16xf32>
        %mul3A_276 = arith.constant 5.000000e-01 : f32
        %mul3A_277 = vector.broadcast %mul3A_276 : f32 to vector<16xf32>
        %mul3A_278 = arith.mulf %mul3A_277, %max3A_251 : vector<16xf32>
        %mul3A_279 = arith.mulf %mul3A_278, %mul3A_275 : vector<16xf32>
        %mul3A_280 = arith.mulf %mul3A_279, %mul3A_275 : vector<16xf32>
        %sub3A_281 = arith.constant 1.500000e+00 : f32
        %sub3A_282 = vector.broadcast %sub3A_281 : f32 to vector<16xf32>
        %sub3A_283 = arith.subf %sub3A_282, %mul3A_280 : vector<16xf32>
        %mul3A_284 = arith.mulf %mul3A_275, %sub3A_283 : vector<16xf32>
        %mul3A_285 = arith.constant 5.000000e-01 : f32
        %mul3A_286 = vector.broadcast %mul3A_285 : f32 to vector<16xf32>
        %mul3A_287 = arith.mulf %mul3A_286, %max3A_251 : vector<16xf32>
        %mul3A_288 = arith.mulf %mul3A_287, %mul3A_284 : vector<16xf32>
        %mul3A_289 = arith.mulf %mul3A_288, %mul3A_284 : vector<16xf32>
        %sub3A_290 = arith.constant 1.500000e+00 : f32
        %sub3A_291 = vector.broadcast %sub3A_290 : f32 to vector<16xf32>
        %sub3A_292 = arith.subf %sub3A_291, %mul3A_289 : vector<16xf32>
        %mul3A_293 = arith.mulf %mul3A_284, %sub3A_292 : vector<16xf32>
        %mul3A_294 = arith.mulf %max3A_251, %mul3A_293 : vector<16xf32>
        %add3A_295 = arith.constant 9.99999996E-13 : f32
        %add3A_296 = vector.broadcast %add3A_295 : f32 to vector<16xf32>
        %add3A_297 = arith.addf %mul3A_294, %add3A_296 : vector<16xf32>
        %bitcast3A_298 = vector.bitcast %add3A_297 : vector<16xf32> to vector<16xi32>
        %broadcast_in_dim3A_299 = arith.constant 1597463007 : i32
        %broadcast_in_dim3A_300 = vector.broadcast %broadcast_in_dim3A_299 : i32 to vector<16xi32>
        %shift_right_logical3A_301 = arith.constant 1 : i32
        %shift_right_logical3A_302 = vector.broadcast %shift_right_logical3A_301 : i32 to vector<16xi32>
        %shift_right_logical3A_303 = arith.shrui %bitcast3A_298, %shift_right_logical3A_302 : vector<16xi32>
        %sub3A_304 = arith.subi %broadcast_in_dim3A_300, %shift_right_logical3A_303 : vector<16xi32>
        %bitcast3A_305 = vector.bitcast %sub3A_304 : vector<16xi32> to vector<16xf32>
        %mul3A_306 = arith.constant 5.000000e-01 : f32
        %mul3A_307 = vector.broadcast %mul3A_306 : f32 to vector<16xf32>
        %mul3A_308 = arith.mulf %mul3A_307, %add3A_297 : vector<16xf32>
        %mul3A_309 = arith.mulf %mul3A_308, %bitcast3A_305 : vector<16xf32>
        %mul3A_310 = arith.mulf %mul3A_309, %bitcast3A_305 : vector<16xf32>
        %sub3A_311 = arith.constant 1.500000e+00 : f32
        %sub3A_312 = vector.broadcast %sub3A_311 : f32 to vector<16xf32>
        %sub3A_313 = arith.subf %sub3A_312, %mul3A_310 : vector<16xf32>
        %mul3A_314 = arith.mulf %bitcast3A_305, %sub3A_313 : vector<16xf32>
        %mul3A_315 = arith.constant 5.000000e-01 : f32
        %mul3A_316 = vector.broadcast %mul3A_315 : f32 to vector<16xf32>
        %mul3A_317 = arith.mulf %mul3A_316, %add3A_297 : vector<16xf32>
        %mul3A_318 = arith.mulf %mul3A_317, %mul3A_314 : vector<16xf32>
        %mul3A_319 = arith.mulf %mul3A_318, %mul3A_314 : vector<16xf32>
        %sub3A_320 = arith.constant 1.500000e+00 : f32
        %sub3A_321 = vector.broadcast %sub3A_320 : f32 to vector<16xf32>
        %sub3A_322 = arith.subf %sub3A_321, %mul3A_319 : vector<16xf32>
        %mul3A_323 = arith.mulf %mul3A_314, %sub3A_322 : vector<16xf32>
        %mul3A_324 = arith.constant 5.000000e-01 : f32
        %mul3A_325 = vector.broadcast %mul3A_324 : f32 to vector<16xf32>
        %mul3A_326 = arith.mulf %mul3A_325, %add3A_297 : vector<16xf32>
        %mul3A_327 = arith.mulf %mul3A_326, %mul3A_323 : vector<16xf32>
        %mul3A_328 = arith.mulf %mul3A_327, %mul3A_323 : vector<16xf32>
        %sub3A_329 = arith.constant 1.500000e+00 : f32
        %sub3A_330 = vector.broadcast %sub3A_329 : f32 to vector<16xf32>
        %sub3A_331 = arith.subf %sub3A_330, %mul3A_328 : vector<16xf32>
        %mul3A_332 = arith.mulf %mul3A_323, %sub3A_331 : vector<16xf32>
        %mul3A_333 = arith.constant 5.000000e-01 : f32
        %mul3A_334 = vector.broadcast %mul3A_333 : f32 to vector<16xf32>
        %mul3A_335 = arith.mulf %mul3A_334, %add3A_297 : vector<16xf32>
        %mul3A_336 = arith.mulf %mul3A_335, %mul3A_332 : vector<16xf32>
        %mul3A_337 = arith.mulf %mul3A_336, %mul3A_332 : vector<16xf32>
        %sub3A_338 = arith.constant 1.500000e+00 : f32
        %sub3A_339 = vector.broadcast %sub3A_338 : f32 to vector<16xf32>
        %sub3A_340 = arith.subf %sub3A_339, %mul3A_337 : vector<16xf32>
        %mul3A_341 = arith.mulf %mul3A_332, %sub3A_340 : vector<16xf32>
        %parallel_loop3A_342 = arith.constant 0 : i32
        %parallel_loop3A_343 = arith.constant 64 : i32
        %parallel_loop3A_344 = arith.constant 1 : i32
        scf.for %parallel_loop3A_346 = %parallel_loop3A_342 to %parallel_loop3A_343 step %parallel_loop3A_344  : i32 {
          %parallel_loop3A_347 = arith.constant 16 : i32
          %parallel_loop3A_348 = arith.muli %parallel_loop3A_346, %parallel_loop3A_347 : i32
          %parallel_loop3A_349 = arith.addi %add3A_178, %parallel_loop3A_348 : i32
          %parallel_loop3A_350 = arith.constant 16 : i32
          %parallel_loop3A_351 = arith.muli %parallel_loop3A_346, %parallel_loop3A_350 : i32
          %parallel_loop3A_352 = arith.index_cast %parallel_loop3A_351 : i32 to index
          %parallel_loop3A_353 = tpu.vector_load %arg10[%parallel_loop3A_352] {strides = array<i32>} : memref<1024xf32, #tpu.memory_space<vmem>>, vector<16xf32>,
          %parallel_loop3A_354 = arith.index_cast %parallel_loop3A_349 : i32 to index
          %parallel_loop3A_355 = tpu.vector_load %arg7[%parallel_loop3A_354] {strides = array<i32>} : memref<32768xf32, #tpu.memory_space<vmem>>, vector<16xf32>,
          %parallel_loop3A_356 = arith.subf %parallel_loop3A_355, %mul3A_216 : vector<16xf32>
          %parallel_loop3A_357 = arith.mulf %parallel_loop3A_356, %mul3A_341 : vector<16xf32>
          %parallel_loop3A_358 = arith.mulf %parallel_loop3A_353, %parallel_loop3A_357 : vector<16xf32>
          %parallel_loop3A_359 = arith.index_cast %parallel_loop3A_351 : i32 to index
          %parallel_loop3A_360 = tpu.vector_load %arg11[%parallel_loop3A_359] {strides = array<i32>} : memref<1024xf32, #tpu.memory_space<vmem>>, vector<16xf32>,
          %parallel_loop3A_361 = arith.addf %parallel_loop3A_358, %parallel_loop3A_360 : vector<16xf32>
          %parallel_loop3A_362 = arith.index_cast %parallel_loop3A_349 : i32 to index
          %parallel_loop3A_363 = tpu.vector_load %arg9[%parallel_loop3A_362] {strides = array<i32>} : memref<32768xf32, #tpu.memory_space<vmem>>, vector<16xf32>,
          tpu.vector_store %arg9[%parallel_loop3A_362], %parallel_loop3A_361 {strides = array<i32>} : memref<32768xf32, #tpu.memory_space<vmem>>, vector<16xf32>,
        } {sc.loop_unroll_factor = 4 : i64, sc.parallel_access}
        %scan3A_345 = arith.constant 0 : i32
        scf.yield %scan3A_345 : i32
      }
      %scan3A_165 = arith.constant 16 : i32
      %dma_start3A_166 = arith.constant 16384 : i32
      %dma_start3A_167 = tpu.memref_slice %arg9[%dma_start3A_166] : memref<32768xf32, #tpu.memory_space<vmem>> -> memref<16384xf32, #tpu.memory_space<vmem>>
      %dma_start3A_168 = tpu.memref_slice %arg6[%mul3A_141] : memref<33554432xf32, #tpu.memory_space<hbm>> -> memref<16384xf32, #tpu.memory_space<hbm>>
      %dma_start3A_169 = tpu.memref_slice %arg6[%mul3A_141] : memref<33554432xf32, #tpu.memory_space<hbm>> -> memref<16384xf32, #tpu.memory_space<hbm>>
      %dma_start3A_170 = arith.constant 16384 : i32
      %dma_start3A_171 = tpu.memref_slice %arg9[%dma_start3A_170] : memref<32768xf32, #tpu.memory_space<vmem>> -> memref<16384xf32, #tpu.memory_space<vmem>>
      tpu.enqueue_dma source(%dma_start3A_171 : memref<16384xf32, #tpu.memory_space<vmem>>) target(%dma_start3A_169 : memref<16384xf32, #tpu.memory_space<hbm>>) target_semaphore(%arg18 : memref<!tpu.dma_semaphore, #tpu.memory_space<semaphore_mem>>)
      %scan3A_172 = arith.constant 0 : i32
      scf.yield %scan3A_172 : i32
    }
    %scan3A_28 = arith.constant 32 : i32
    %add3A_29 = arith.constant 992 : i32
    %add3A_30 = arith.addi %mul3A_2, %add3A_29 : i32
    %rem3A_31 = arith.constant 8192 : i32
    %rem3A_32 = arith.remsi %add3A_30, %rem3A_31 : i32
    %mul3A_33 = arith.constant 1024 : i32
    %mul3A_34 = arith.muli %add3A_30, %mul3A_33 : i32
    %mul3A_35 = arith.constant 1024 : i32
    %mul3A_36 = arith.muli %rem3A_32, %mul3A_35 : i32
    %mul3A_37 = arith.constant 1024 : i32
    %mul3A_38 = arith.muli %add3A_30, %mul3A_37 : i32
    %add3A_39 = arith.constant 1008 : i32
    %add3A_40 = arith.addi %mul3A_2, %add3A_39 : i32
    %rem3A_41 = arith.constant 8192 : i32
    %rem3A_42 = arith.remsi %add3A_40, %rem3A_41 : i32
    %mul3A_43 = arith.constant 1024 : i32
    %mul3A_44 = arith.muli %add3A_40, %mul3A_43 : i32
    %mul3A_45 = arith.constant 1024 : i32
    %mul3A_46 = arith.muli %rem3A_42, %mul3A_45 : i32
    %mul3A_47 = arith.constant 1024 : i32
    %mul3A_48 = arith.muli %add3A_40, %mul3A_47 : i32
    %dma_wait3A = arith.constant 0 : i32
    %dma_wait3A_49 = tpu.memref_slice %arg9[%dma_wait3A] : memref<32768xf32, #tpu.memory_space<vmem>> -> memref<16384xf32, #tpu.memory_space<vmem>>
    %dma_wait3A_50 = tpu.memref_slice %arg6[%mul3A_38] : memref<33554432xf32, #tpu.memory_space<hbm>> -> memref<16384xf32, #tpu.memory_space<hbm>>
    %dma_wait3A_51 = tpu.memref_slice %arg6[%mul3A_38] : memref<33554432xf32, #tpu.memory_space<hbm>> -> memref<16384xf32, #tpu.memory_space<hbm>>
    %dma_wait3A_52 = arith.constant 0 : i32
    %dma_wait3A_53 = tpu.memref_slice %arg9[%dma_wait3A_52] : memref<32768xf32, #tpu.memory_space<vmem>> -> memref<16384xf32, #tpu.memory_space<vmem>>
    tpu.wait_dma2 semaphore(%arg15 : memref<!tpu.dma_semaphore, #tpu.memory_space<semaphore_mem>>) src(%dma_wait3A_53 : memref<16384xf32, #tpu.memory_space<vmem>>) dst(%dma_wait3A_51 : memref<16384xf32, #tpu.memory_space<hbm>>)
    %dma_wait3A_54 = arith.constant 16384 : i32
    %dma_wait3A_55 = tpu.memref_slice %arg9[%dma_wait3A_54] : memref<32768xf32, #tpu.memory_space<vmem>> -> memref<16384xf32, #tpu.memory_space<vmem>>
    %dma_wait3A_56 = tpu.memref_slice %arg6[%mul3A_48] : memref<33554432xf32, #tpu.memory_space<hbm>> -> memref<16384xf32, #tpu.memory_space<hbm>>
    %dma_wait3A_57 = tpu.memref_slice %arg6[%mul3A_48] : memref<33554432xf32, #tpu.memory_space<hbm>> -> memref<16384xf32, #tpu.memory_space<hbm>>
    %dma_wait3A_58 = arith.constant 16384 : i32
    %dma_wait3A_59 = tpu.memref_slice %arg9[%dma_wait3A_58] : memref<32768xf32, #tpu.memory_space<vmem>> -> memref<16384xf32, #tpu.memory_space<vmem>>
    tpu.wait_dma2 semaphore(%arg18 : memref<!tpu.dma_semaphore, #tpu.memory_space<semaphore_mem>>) src(%dma_wait3A_59 : memref<16384xf32, #tpu.memory_space<vmem>>) dst(%dma_wait3A_57 : memref<16384xf32, #tpu.memory_space<hbm>>)
    return
  }
}

</mosaic_0001>

<sc_bundles>
// kernel: kernel.3.cloned.1.call-start
scs
__scs_entry_jumppad:
0x0: {  	(pc) =	sbr.rel $0x88, $3  }
0x1: {  	(tag) =	ssettag $0x0;
	lr =	simm.s32 $0x1  }
0x2: {  	[smem:$0x3F9D] =	sst lr;
	_ =	strace $0xD0000000  }
0x3: {  	_ = 	snop  }
0x4: {  	_ = 	snop  }
0x5: {  	_ = 	snop  }
0x6: {  	_ = 	snop  }
0x7: {  	_ = 	snop  }
__scs_overlays_trampoline_lowered:
0x8: {  	[smem:$0x3FAC] =	sst s0  }
0x9: {  	[smem:$0x3FAD] =	sst s1  }
0xa: {  	[smem:$0x3FAE] =	sst s2  }
0xb: {  	[smem:$0x3FAF] =	sst s3  }
0xc: {  	[smem:$0x3FB0] =	sst s4  }
0xd: {  	[smem:$0x3FB1] =	sst s5  }
0xe: {  	[smem:$0x3FB2] =	sst s6  }
0xf: {  	[smem:$0x3FB3] =	sst s7  }
0x10: {  	[smem:$0x3FB4] =	sst s8  }
0x11: {  	[smem:$0x3FB5] =	sst s9;
	s0 =	simm.s32 @!p0 $0x0  }
0x12: {  	s1 =	sld [smem:$0x3F9B];
	s0 =	simm.s32 @p0 $0x1  }
0x13: {  	[smem:$0x3FB6] =	sst s0;
	s0 =	simm.s32 @!p1 $0x0  }
0x14: {  	s2 =	sld [smem:$0x3F9A];
	s0 =	simm.s32 @p1 $0x1  }
0x15: {  	[smem:$0x3FB7] =	sst s0;
	s0 =	simm.s32 @!p2 $0x0  }
0x16: {  	s3 =	sld [smem:$0x3FDB];
	s0 =	simm.s32 @p2 $0x1  }
0x17: {  	s4 =	simm.s32 $0x1BF5;
	[smem:$0x3FB9] =	sst s0  }
0x18: {  	s0 =	sld [smem:$0x3F9C];
	_ =	swait.ge [sflag:s4], $0x0  }
0x19: {  	s7 =	sld [smem:$0x3F9D]  }
0x1a: {  	s8 =	sadd.s32 $0xFFFFE003, lr  }
0x1b: {  	s9 =	sadd.s32 $0xFFFFFEF7, lr;
	s5 =	simm.s32 $0xFFFFFFFF;
	p2 =	slt.u32 s8, $0xFFFFF086  }
0x1c: {  	p1 =	slt.u32 s9, $0xF7A;
	s5 =	simm.s32 @!p2 $0x0  }
0x1d: {  	s5 =	simm.s32 @p1 $0x1;
	p0 =	seq.s32 s7, s2  }
0x1e: {  	s7 =	smul.u32 @!p0 $0xF7A, s2;
	p2 =	seq.s32 @!p0 s5, $0x0  }
0x1f: {  	s9 =	smul.u32 $0xF7A, s1;
	s8 =	simm.s32 @!p0 $0x1BF5;
	p2 =	por !p2, p0  }
0x20: {  	[sflag:s8] =	ssyncset.s32 @!p0 $0xFFFFF086;
	s6 =	sadd.s32 @!p0 s3, s7;
	s7 =	simm.s32 @!p0 $0x108  }
0x21: {  	s3 =	sadd.s32 s3, s9;
	s6 =	sadd.s32 @!p0 $0x88, s6;
	s7 =	simm.s32 @p2 $0x1082  }
0x22: {  	[simem:s7], [sflag:s8] =	dma.local @!p0 [hbm:s6], $0xF7A  }
0x23: {  	s9 =	sor.u32 $0xD0000000, s2;
	s6 =	simm.s32 $0x108;
	_ =	swait.ge @!p0 [sflag:s8], $0x0  }
0x24: {  	s3 =	sadd.s32 $0x88, s3;
	s6 =	simm.s32 @!p1 $0x1082;
	[sflag:s4] =	ssyncset.s32 $0xFFFFF086  }
0x25: {  	[simem:s6], [sflag:s4] =	dma.local [hbm:s3], $0xF7A  }
0x26: {  	[smem:$0x3F9D] =	sst s1;
	(tag) =	ssettag s2;
	_ =	strace s9  }
0x27: {  	s1 =	sld [smem:$0x3FAD]  }
0x28: {  	s2 =	sld [smem:$0x3FAE]  }
0x29: {  	s4 =	sld [smem:$0x3FB0]  }
0x2a: {  	p0 =	seq.s32 s5, $0x0;
	s5 =	sld [smem:$0x3FB1]  }
0x2b: {  	s6 =	sld [smem:$0x3FB2]  }
0x2c: {  	s7 =	sld [smem:$0x3FB3]  }
0x2d: {  	s3 =	simm.s32 $0x108;
	s8 =	sld [smem:$0x3FB4]  }
0x2e: {  	s3 =	simm.s32 @!p0 $0x1082;
	s9 =	sld [smem:$0x3FB5]  }
0x2f: {  	lr =	sadd.s32 s0, s3;
	s0 =	sld [smem:$0x3FAC]  }
0x30: {  	s3 =	sld [smem:$0x3FAF]  }
0x31: {  	[smem:$0x3FB8] =	sst s10  }
0x32: {  	s10 =	sld [smem:$0x3FB6];
	_ =	sdelay $0x3  }
0x33: {  	p0 =	seq.s32 s10, $0x1;
	s10 =	sld [smem:$0x3FB8];
	_ =	sdelay $0x3  }
0x34: {  	[smem:$0x3FB8] =	sst s10  }
0x35: {  	s10 =	sld [smem:$0x3FB7];
	_ =	sdelay $0x3  }
0x36: {  	p1 =	seq.s32 s10, $0x1;
	s10 =	sld [smem:$0x3FB8];
	_ =	sdelay $0x3  }
0x37: {  	[smem:$0x3FB8] =	sst s10  }
0x38: {  	s10 =	sld [smem:$0x3FB9]  }
0x39: {  	_ = 	snop;
	(pc) =	sbr.ind lr, $3  }
0x3a: {  	_ = 	snop  }
0x3b: {  	_ = 	snop  }
0x3c: {  	p2 =	seq.s32 s10, $0x1;
	s10 =	sld [smem:$0x3FB8]  }
0x3d: {  	_ =	shalt  }
0x3e: {  	_ =	shalt  }
0x3f: {  	_ =	shalt  }
0x40: {  	_ =	shalt  }
0x41: {  	_ =	shalt  }
0x42: {  	_ =	shalt  }
0x43: {  	_ =	shalt  }
0x44: {  	_ =	shalt  }
0x45: {  	_ =	shalt  }
0x46: {  	_ =	shalt  }
0x47: {  	_ =	shalt  }
0x48: {  	_ =	shalt  }
0x49: {  	_ =	shalt  }
0x4a: {  	_ =	shalt  }
0x4b: {  	_ =	shalt  }
0x4c: {  	_ =	shalt  }
0x4d: {  	_ =	shalt  }
0x4e: {  	_ =	shalt  }
0x4f: {  	_ =	shalt  }
0x50: {  	_ =	shalt  }
0x51: {  	_ =	shalt  }
0x52: {  	_ =	shalt  }
0x53: {  	_ =	shalt  }
0x54: {  	_ =	shalt  }
0x55: {  	_ =	shalt  }
0x56: {  	_ =	shalt  }
0x57: {  	_ =	shalt  }
0x58: {  	_ =	shalt  }
0x59: {  	_ =	shalt  }
0x5a: {  	_ =	shalt  }
0x5b: {  	_ =	shalt  }
0x5c: {  	_ =	shalt  }
0x5d: {  	_ =	shalt  }
0x5e: {  	_ =	shalt  }
0x5f: {  	_ =	shalt  }
0x60: {  	_ =	shalt  }
0x61: {  	_ =	shalt  }
0x62: {  	_ =	shalt  }
0x63: {  	_ =	shalt  }
0x64: {  	_ =	shalt  }
0x65: {  	_ =	shalt  }
0x66: {  	_ =	shalt  }
0x67: {  	_ =	shalt  }
0x68: {  	_ =	shalt  }
0x69: {  	_ =	shalt  }
0x6a: {  	_ =	shalt  }
0x6b: {  	_ =	shalt  }
0x6c: {  	_ =	shalt  }
0x6d: {  	_ =	shalt  }
0x6e: {  	_ =	shalt  }
0x6f: {  	_ =	shalt  }
0x70: {  	_ =	shalt  }
0x71: {  	_ =	shalt  }
0x72: {  	_ =	shalt  }
0x73: {  	_ =	shalt  }
0x74: {  	_ =	shalt  }
0x75: {  	_ =	shalt  }
0x76: {  	_ =	shalt  }
0x77: {  	_ =	shalt  }
0x78: {  	_ =	shalt  }
0x79: {  	_ =	shalt  }
0x7a: {  	_ =	shalt  }
0x7b: {  	_ =	shalt  }
0x7c: {  	_ =	shalt  }
0x7d: {  	_ =	shalt  }
0x7e: {  	_ =	shalt  }
0x7f: {  	_ =	shalt  }
0x80: {  	_ =	shalt  }
0x81: {  	_ =	shalt  }
0x82: {  	_ =	shalt  }
0x83: {  	_ =	shalt  }
0x84: {  	_ =	shalt  }
0x85: {  	_ =	shalt  }
0x86: {  	_ =	shalt  }
0x87: {  	_ =	shalt  }
.Lfunc_end0:
.L_simem_size_0:
called_computation.2_lowered:
.L_overlay_start_0:
0x88: {  	s2 =	sld [smem:$0x3FD9]  }
0x89: {  	s3 =	sld [smem:$0x3FFE];
	_ =	sdelay $0x1  }
0x8a: {  	s1 =	srdreg.scid  }
0x8b: {  	s0 =	sand.u32 $0x1, s1  }
0x8c: {  	s17 =	sshll.u32 s0, $0xA;
	s2 =	sadd.s32 s3, s2  }
0x8d: {  	s2 =	sadd.s32 s2, s17  }
0x8e: {  	[smem:$0x3FC4] =	sst s2  }
0x8f: {  	_ = 	snop  }
0x90: {  	s2 =	sld [smem:$0x3FC7]  }
0x91: {  	s18 =	sld [smem:$0x3FC6]  }
0x92: {  	s4 =	sld [smem:$0x3FD0];
	(tm) =	ssettm $0x1  }
0x93: {  	s5 =	sld [smem:$0x3FFB];
	_ =	sdelay $0x3  }
0x94: {  	_ =	strace s5  }
0x95: {  	s5 =	sld [smem:$0x3FFC];
	_ =	sdelay $0x3  }
0x96: {  	_ =	strace s5  }
0x97: {  	s5 =	sld [smem:$0x3FFD];
	_ =	sdelay $0x3  }
0x98: {  	_ =	strace s5  }
0x99: {  	_ =	strace $0x8FFFFFFF  }
0x9a: {  	s19 =	sld [smem:$0x3FDB];
	_ =	sdelay $0x1  }
0x9b: {  	s6 =	simm.s32 $_scs_section_size  }
0x9c: {  	s7 =	simm.s32 $_size__tile_overlayer_lowered;
	s8 =	simm.s32 $_tile_overlayer_lowered  }
0x9d: {  	s22 =	simm.s32 $0x1BFF;
	s21 =	sshll.u32 s8, $0x1;
	s5 =	sadd.s32 s6, s19  }
0x9e: {  	s9 =	simm.s32 $0x0;
	s20 =	sshll.u32 s7, $0x1;
	s7 =	sadd.s32 s21, s5  }
0x9f: {  	[timem:s9], [sflag:s22] =	dma.local [hbm:s7], s20  }
0xa0: {  	_ =	swait.ge [sflag:s22], s20  }
0xa1: {  	s6 =	ssub.s32 $0x0, s20;
	[sflag:s22] =	ssyncset.done $0x0  }
0xa2: {  	[sflag:s22] =	ssyncadd.s32 s6;
	_ =	sdelay $0x1  }
0xa3: {  	s23 =	simm.s32 $0x1B8B  }
0xa4: {  	_ =	swait.ge [sflag:s23], $0x1  }
0xa5: {  	[sflag:s23] =	ssyncset.done $0x0  }
0xa6: {  	s25 =	simm.s32 $0x1B8E;
	s24 =	sld [smem:$0x3FFE];
	[sflag:s23] =	ssyncadd.s32 $0xFFFFFFFF  }
0xa7: {  	s26 =	simm.s32 $execute0_lowered;
	[smem:$0x3FD2] =	sst s25  }
0xa8: {  	s7 =	sshll.u32 s26, $0x1;
	_ =	strace $0x8000004C;
	[dreg:$0x1] =	wrdreg $0xFFFFFFFF  }
0xa9: {  	s28 =	simm.s32 $_size_execute0_lowered;
	s5 =	sadd.s32 s5, s7;
	[dreg:$0x0] =	wrdreg $0x0  }
0xaa: {  	s7 =	sshll.u32 s28, $0x1;
	[dreg:$0x2] =	wrdreg s5  }
0xab: {  	[dreg:$0x3] =	wrdreg s7  }
0xac: {  	[dreg:$0x4] =	wrdreg $0xC0  }
0xad: {  	_ =	task [dreg:s9], $0x5FFFF  }
0xae: {  	[dreg:$0x1] =	wrdreg $0xFFFFFFFF  }
0xaf: {  	[dreg:$0x0] =	wrdreg $0x60  }
0xb0: {  	[dreg:$0x2] =	wrdreg s4  }
0xb1: {  	[dreg:$0x3] =	wrdreg s24  }
0xb2: {  	[dreg:$0x4] =	wrdreg s2  }
0xb3: {  	[dreg:$0x5] =	wrdreg s18  }
0xb4: {  	[dreg:$0x6] =	wrdreg $0x9  }
0xb5: {  	_ =	task.clear_ibuf [dreg:s9], $0x7FFFF;
	_ =	strace $0x9000004C  }
0xb6: {  	s29 =	simm.s32 $0x9;
	_ =	strace $0x8000004E  }
0xb7: {  	_ =	swait.ge [sflag:s29], $0x1  }
0xb8: {  	[sflag:s29] =	ssyncadd.s32 $0xFFFFFFFF  }
0xb9: {  	_ =	strace $0x9000004E  }
0xba: {  	_ =	sfence  }
0xbb: {  	s30 =	sld [smem:$0x0];
	_ =	sdelay $0x2  }
0xbc: {  	s31 =	sshll.u32 s1, $0xD;
	s1 =	sshrl.u32 s1, $0x2  }
0xbd: {  	s3 =	sand.u32 $0x4000, s31;
	s1 =	sadd.s32 s1, s30  }
0xbe: {  	s0 =	sor.u32 s3, s0;
	s1 =	sshll.u32 s1, $0x11  }
0xbf: {  	s0 =	sor.u32 s1, s0  }
0xc0: {  	s0 =	sadd.s32 $0x8F2B, s0  }
0xc1: {  	[sflag:s0] =	ssyncadd.remote.s32 $0x1  }
0xc2: {  	_ =	sfence.sel $0xFFFF  }
0xc3: {  	[dreg:$0x0] =	wrdreg $0xFFFFFFFF;
	(pc) =	sbr.abs _section_cstart, $3  }
0xc4: {  	[dreg:$0x1] =	wrdreg $0xFFFFFFFF  }
0xc5: {  	_ =	task.clear_ibuf [dreg:s9], $0x2FFFF;
	_ =	strace $0x9FFFFFFF  }
0xc6: {  	(tm) =	ssettm $0x7FFFFFFF  }
0xc7: {  	_ =	shalt  }
tec
execute0_lowered:
.L_overlay_start_1:
0x0: {  	(tag) =	ssettag $0x1  }
0x1: {  	s1 =	rddreg [dreg:$0x0];
	v0 =	vimm.s32 $0xFEDCBA98  }
0x2: {  	s0 =	rddreg [dreg:$0x1];
	s5 =	simm.s32 $0x0;
	v1 =	vimm.s32 $0x76543210;
	v2 =	vimm.s32 $0xBA98FEDC;
	v3 =	vimm.s32 $0x32107654  }
0x3: {  	s2 =	srdreg.scid;
	s3 =	stileid.u32;
	v4 =	vimm.s32 $0xDCFE98BA;
	v5 =	vimm.s32 $0x54761032;
	s18 =	simm.s32 $0x4000  }
0x4: {  	v6 =	vimm.s32 $0xEFCDAB89;
	v7 =	vimm.s32 $0x67452301;
	s19 =	simm.s32 $0xC000;
	s20 =	simm.s32 $0x1;
	s21 =	simm.s32 $0x2  }
0x5: {  	s22 =	simm.s32 $0x18800;
	s23 =	simm.s32 $0x10000;
	s24 =	simm.s32 $0x4;
	v0 =	vunpack.c.l.s4.s8 v0;
	v1 =	vunpack.c.l.s4.s8 v1;
	v2 =	vunpack.c.l.s4.s8 v2  }
0x6: {  	s25 =	simm.s32 $0x5;
	s26 =	simm.s32 $0x14000;
	[smem:$0x7FF] =	sst s5;
	v3 =	vunpack.c.l.s4.s8 v3;
	v4 =	vunpack.c.l.s4.s8 v4;
	v5 =	vunpack.c.l.s4.s8 v5  }
0x7: {  	s2 =	sand.u32 $0x1, s2;
	s3 =	sshll.u32 s3, $0x1;
	s6 =	sadd.s32 $0xC00, s0;
	v6 =	vunpack.c.l.s4.s8 v6;
	v7 =	vunpack.c.l.s4.s8 v7;
	v0 =	vunpack.c.0.s8.s32 v0  }
0x8: {  	s7 =	sadd.s32 $0x100C00, s0;
	s3 =	sor.u32 s2, s3;
	s2 =	ssub.s32 $0x2, s2;
	v2 =	vunpack.c.0.s8.s32 v2;
	v3 =	vunpack.c.0.s8.s32 v3;
	v4 =	vunpack.c.0.s8.s32 v4  }
0x9: {  	_ =	strace $0x8000004D;
	s28 =	sshll.u32 s3, $0x11;
	s4 =	sshrl.u32 s2, $0x1;
	v5 =	vunpack.c.0.s8.s32 v5;
	v6 =	vunpack.c.0.s8.s32 v6;
	v7 =	vunpack.c.0.s8.s32 v7  }
0xa: {  	s8 =	sshll.u32 s3, $0xA;
	v1 =	vunpack.c.0.s8.s32 v1;
	s29 =	sand.u32 $0xE0000, s28;
	s30 =	sadd.s32 s1, s28;
	v2 =	vcombine.low v3, v2  }
0xb: {  	s2 =	ssub.s32 s2, s4;
	[dreg:$0x5] =	wrdreg s30;
	s3 =	sadd.s32 s6, s29;
	v3 =	vcombine.low v5, v4;
	v4 =	vcombine.low v7, v6;
	v0 =	vand.u32 $0xF, v0  }
0xc: {  	s11 =	sadd.s32 s7, s28;
	s31 =	smax.u32 s2, $0x1;
	[dreg:$0x6] =	wrdreg s3;
	v0 =	vcombine.low v0, v1  }
0xd: {  	s12 =	sor.u32 $0x20, s8;
	[dreg:$0x7] =	wrdreg s31;
	s3 =	simm.s32 $0x0;
	v1 =	vand.u32 $0xF, v2;
	v2 =	vand.u32 $0xF, v3;
	v3 =	vand.u32 $0xF, v4  }
.LBB2_1:
0xe: {  	[dreg:$0x8] =	wrdreg s3  }
0xf: {  	s0 =	rddreg [dreg:$0x2];
	s2 =	simm.s32 $0x18000;
	s15 =	simm.s32 $0x7  }
0x10: {  	[tilespmem:s2], [sflag:$0x7] =	stream.linear.gather [hbm4b:s0+s5], $0x400, $0x38;
	[tilespmem:$0x18880] =	vst v63  }
0x11: {  	_ =	swait.ge [sflag:s15], $0x400  }
0x12: {  	[sflag:s15] =	ssyncset.done $0x0  }
0x13: {  	[sflag:s15] =	ssyncadd.s32 $0xFFFFFC00  }
0x14: {  	s17 =	simm.s32 $0x18400;
	s16 =	rddreg [dreg:$0x3]  }
0x15: {  	[tilespmem:s17], [sflag:$0x7] =	stream.linear.gather [hbm4b:s16+s5], $0x400, $0x38;
	[tilespmem:$0x18880] =	vst v63  }
0x16: {  	_ =	swait.ge [sflag:s15], $0x400  }
0x17: {  	[sflag:s15] =	ssyncset.done $0x0  }
0x18: {  	s28 =	rddreg [dreg:$0x5];
	[sflag:s15] =	ssyncadd.s32 $0xFFFFFC00  }
0x19: {  	[tilespmem:s5], [sflag:$0x1] =	stream.linear.gather [hbm4b:s28+s5], $0x4000, $0x38;
	[tilespmem:$0x18880] =	vst v63  }
0x1a: {  	s30 =	simm.s32 $0x8000;
	s31 =	simm.s32 $0x0;
	s29 =	rddreg [dreg:$0x6]  }
0x1b: {  	[tilespmem:s30], [sflag:$0x2] =	stream.linear.gather [hbm4b:s29+s5], $0x4000, $0x38;
	[tilespmem:$0x18880] =	vst v63  }
.LBB2_2:
0x1c: {  	s3 =	sshll.u32 s31, $0x5  }
0x1d: {  	s0 =	sor.u32 s3, s8  }
0x1e: {  	s0 =	sshll.u32 s0, $0x7  }
0x1f: {  	s0 =	sor.u32 $0x800, s0  }
0x20: {  	s2 =	sadd.s32 s1, s0;
	s30 =	sand.u32 $0xFF800, s0  }
0x21: {  	[tilespmem:s18], [sflag:$0x4] =	stream.linear.gather [hbm4b:s2+s5], $0x4000, $0x38;
	[tilespmem:$0x18880] =	vst v63  }
0x22: {  	s2 =	sadd.s32 s6, s30  }
0x23: {  	[tilespmem:s19], [sflag:$0x5] =	stream.linear.gather [hbm4b:s2+s5], $0x4000, $0x38;
	[tilespmem:$0x18880] =	vst v63  }
0x24: {  	_ =	swait.ge [sflag:s20], $0x4000  }
0x25: {  	[sflag:s20] =	ssyncset.done $0x0  }
0x26: {  	[sflag:s20] =	ssyncadd.s32 $0xFFFFC000  }
0x27: {  	_ =	swait.ge [sflag:s21], $0x4000  }
0x28: {  	p0 =	seq.s32 s31, $0x0;
	[sflag:s21] =	ssyncset.done $0x0  }
0x29: {  	s4 =	simm.s32 @!p0 $0x3;
	[sflag:s21] =	ssyncadd.s32 $0xFFFFC000  }
0x2a: {  	s14 =	simm.s32 $0x8040;
	s16 =	simm.s32 $0x40;
	_ =	swait.ge @!p0 [sflag:s4], $0x4000  }
0x2b: {  	s17 =	simm.s32 $0x10020;
	s9 =	simm.s32 $0x20;
	[sflag:s4] =	ssyncset.done @!p0 $0x0  }
0x2c: {  	s2 =	sshll.u32 s31, $0xC;
	[sflag:s4] =	ssyncadd.s32 @!p0 $0xFFFFC000;
	s4 =	simm.s32 $0x0  }
.LBB2_3:
0x2d: {  	v4 =	vld [tilespmem:s14+$0xFFFFFFC0]  }
0x2e: {  	v5 =	vld [tilespmem:s16+$0xFFFFFFC0]  }
0x2f: {  	v6 =	vld [tilespmem:s16+$0x0]  }
0x30: {  	v7 =	vld [tilespmem:s14+$0x0];
	_ =	sdelay $0x2  }
0x31: {  	v4 =	vadd.f32 v4, v5;
	_ =	sdelay $0x1  }
0x32: {  	v8 =	vld [tilespmem:s16+$0xFFFFFFD0];
	v6 =	vadd.f32 v7, v6;
	[tilespmem:s16+$0xFFFFFFC0] =	vst v4  }
0x33: {  	v7 =	vld [tilespmem:s14+$0xFFFFFFD0]  }
0x34: {  	v5 =	vld [tilespmem:s16+$0x10];
	[tilespmem:s16+$0x0] =	vst v6  }
0x35: {  	v9 =	vld [tilespmem:s14+$0x10]  }
0x36: {  	v11 =	vld [tilespmem:s16+$0xFFFFFFE0];
	s10 =	sadd.s32 $0x80, s16  }
0x37: {  	v12 =	vld [tilespmem:s10+$0xFFFFFFC0]  }
0x38: {  	s13 =	sadd.s32 $0x80, s14;
	v13 =	vld [tilespmem:s10+$0x0];
	v7 =	vadd.f32 v7, v8  }
0x39: {  	v14 =	vld [tilespmem:s13+$0x0]  }
0x3a: {  	v8 =	vld [tilespmem:s13+$0xFFFFFFC0];
	v5 =	vadd.f32 v9, v5;
	[tilespmem:s16+$0xFFFFFFD0] =	vst v7  }
0x3b: {  	v9 =	vld [tilespmem:s14+$0xFFFFFFE0]  }
0x3c: {  	v10 =	vld [tilespmem:s16+$0x20];
	[tilespmem:s16+$0x10] =	vst v5  }
0x3d: {  	v15 =	vld [tilespmem:s14+$0x20]  }
0x3e: {  	v16 =	vld [tilespmem:s16+$0x30];
	v13 =	vadd.f32 v14, v13  }
0x3f: {  	v18 =	vld [tilespmem:s16+$0xFFFFFFF0];
	v17 =	vmul.f32 v4, v4;
	v8 =	vadd.f32 v8, v12;
	v12 =	vimm.f32 $0.0e+00  }
0x40: {  	v20 =	vld [tilespmem:s10+$0x10];
	v14 =	vmul.f32 v6, v6;
	v4 =	vadd.f32 v4, v12;
	v9 =	vadd.f32 v9, v11  }
0x41: {  	v19 =	vld [tilespmem:s10+$0xFFFFFFD0];
	[tilespmem:s10+$0xFFFFFFC0] =	vst v8;
	v11 =	vadd.f32 v17, v12;
	v17 =	vmul.f32 v7, v7;
	v7 =	vadd.f32 v7, v12  }
0x42: {  	v21 =	vld [tilespmem:s13+$0xFFFFFFD0];
	v10 =	vadd.f32 v15, v10;
	v4 =	vadd.f32 v6, v4;
	[tilespmem:s16+$0xFFFFFFE0] =	vst v9  }
0x43: {  	[tilespmem:s10+$0x0] =	vst v13;
	v6 =	vmul.f32 v5, v5;
	v15 =	vadd.f32 v17, v12;
	v11 =	vadd.f32 v14, v11;
	v17 =	vld [tilespmem:s14+$0xFFFFFFF0]  }
0x44: {  	v23 =	vld [tilespmem:s13+$0x10];
	v22 =	vadd.f32 v5, v7;
	v5 =	vmul.f32 v8, v8;
	v4 =	vadd.f32 v8, v4  }
0x45: {  	[tilespmem:s16+$0x20] =	vst v10;
	v7 =	vmul.f32 v9, v9;
	v9 =	vadd.f32 v9, v12;
	v8 =	vld [tilespmem:s10+$0x20];
	v24 =	vadd.f32 v6, v15  }
0x46: {  	s29 =	sadd.s32 $0x80, s10;
	v25 =	vld [tilespmem:s14+$0x30];
	v5 =	vadd.f32 v5, v11;
	v6 =	vadd.f32 v13, v4;
	v4 =	vmul.f32 v13, v13  }
0x47: {  	v14 =	vld [tilespmem:s29+$0x0];
	v13 =	vadd.f32 v7, v12;
	v15 =	vmul.f32 v10, v10;
	v26 =	vadd.f32 v21, v19  }
0x48: {  	s28 =	sadd.s32 $0x80, s13;
	v11 =	vld [tilespmem:s10+$0xFFFFFFE0];
	v5 =	vadd.f32 v4, v5;
	v17 =	vadd.f32 v17, v18  }
0x49: {  	v19 =	vld [tilespmem:s28+$0xFFFFFFC0];
	v4 =	vadd.f32 v15, v13;
	v15 =	vadd.f32 v23, v20  }
0x4a: {  	v7 =	vadd.f32 v10, v9;
	v21 =	vld [tilespmem:s29+$0xFFFFFFC0];
	[tilespmem:s10+$0xFFFFFFD0] =	vst v26;
	v9 =	vmul.f32 v17, v17  }
0x4b: {  	v20 =	vmul.f32 v26, v26;
	v18 =	vld [tilespmem:s13+$0xFFFFFFE0];
	v16 =	vadd.f32 v25, v16;
	[tilespmem:s10+$0x10] =	vst v15;
	v23 =	vadd.f32 v17, v12  }
0x4c: {  	v10 =	vmul.f32 v15, v15;
	[tilespmem:s16+$0xFFFFFFF0] =	vst v17;
	v17 =	vadd.f32 v26, v22;
	v22 =	vld [tilespmem:s28+$0x0];
	v13 =	vadd.f32 v9, v12  }
0x4d: {  	s30 =	simm.s32 $0x4;
	s15 =	smov.u32 s29;
	[tilespmem:s16+$0x30] =	vst v16;
	v12 =	vadd.f32 v20, v24;
	v20 =	vld [tilespmem:s13+$0x20];
	v9 =	vadd.f32 v16, v23;
	v16 =	vmul.f32 v16, v16  }
.LBB2_4:
0x4e: {  	s30 =	sadd.s32 $0x2, s30;
	v17 =	vadd.f32 v15, v17;
	v23 =	vld [tilespmem:s10+$0x30]  }
0x4f: {  	p1 =	slt.u32 s30, $0xE;
	v15 =	vadd.f32 v19, v21;
	v19 =	vld [tilespmem:s10+$0xFFFFFFF0];
	v13 =	vadd.f32 v16, v13  }
0x50: {  	v12 =	vadd.f32 v10, v12;
	v16 =	vld [tilespmem:s29+$0x10];
	v11 =	vadd.f32 v18, v11  }
0x51: {  	[tilespmem:s29+$0xFFFFFFC0] =	vst v15;
	v6 =	vadd.f32 v15, v6;
	v10 =	vmul.f32 v15, v15;
	v15 =	vld [tilespmem:s29+$0xFFFFFFD0];
	v14 =	vadd.f32 v22, v14  }
0x52: {  	v18 =	vld [tilespmem:s28+$0xFFFFFFD0];
	[tilespmem:s10+$0xFFFFFFE0] =	vst v11;
	v7 =	vadd.f32 v11, v7;
	v11 =	vmul.f32 v11, v11;
	v8 =	vadd.f32 v20, v8  }
0x53: {  	v5 =	vadd.f32 v10, v5;
	[tilespmem:s29+$0x0] =	vst v14;
	v6 =	vadd.f32 v14, v6;
	v10 =	vmul.f32 v14, v14;
	v20 =	vld [tilespmem:s13+$0xFFFFFFF0]  }
0x54: {  	v22 =	vld [tilespmem:s28+$0x10];
	v4 =	vadd.f32 v11, v4;
	[tilespmem:s10+$0x20] =	vst v8;
	v7 =	vadd.f32 v8, v7;
	v11 =	vmul.f32 v8, v8  }
0x55: {  	v5 =	vadd.f32 v10, v5;
	v10 =	vld [tilespmem:s13+$0x30];
	s13 =	smov.u32 s28  }
0x56: {  	v8 =	vld [tilespmem:s29+$0x20];
	v4 =	vadd.f32 v11, v4  }
0x57: {  	s29 =	sadd.s32 $0x80, s29;
	v11 =	vld [tilespmem:s15+$0xFFFFFFE0]  }
0x58: {  	s28 =	sadd.s32 $0x80, s28;
	v18 =	vadd.f32 v18, v15;
	v14 =	vld [tilespmem:s29+$0x0];
	v20 =	vadd.f32 v20, v19  }
.Ltmp0:
0x59: {  	v19 =	vld [tilespmem:s28+$0xFFFFFFC0];
	(pc) =	sbr.rel @p1 .LBB2_4-.Ltmp0, $4  }
0x5a: {  	v15 =	vadd.f32 v22, v16;
	v21 =	vld [tilespmem:s29+$0xFFFFFFC0];
	[tilespmem:s15+$0xFFFFFFD0] =	vst v18;
	v9 =	vadd.f32 v20, v9;
	v16 =	vmul.f32 v20, v20  }
0x5b: {  	v17 =	vadd.f32 v18, v17;
	v24 =	vmul.f32 v18, v18;
	v23 =	vadd.f32 v10, v23;
	v18 =	vld [tilespmem:s13+$0xFFFFFFE0];
	[tilespmem:s10+$0xFFFFFFF0] =	vst v20  }
0x5c: {  	v10 =	vmul.f32 v15, v15;
	v22 =	vld [tilespmem:s28+$0x0];
	[tilespmem:s15+$0x10] =	vst v15;
	v13 =	vadd.f32 v16, v13  }
0x5d: {  	v12 =	vadd.f32 v24, v12;
	v9 =	vadd.f32 v23, v9;
	v16 =	vmul.f32 v23, v23;
	v20 =	vld [tilespmem:s13+$0x20];
	[tilespmem:s10+$0x30] =	vst v23;
	s10 =	smov.u32 s15;
	s15 =	smov.u32 s29  }
0x5e: {  	_ = 	snop  }
0x5f: {  	v19 =	vadd.f32 v19, v21;
	_ =	sdelay $0x1  }
0x60: {  	v46 =	vld [tilespmem:s29+$0xFFFFFFD0];
	[tilespmem:s29+$0xFFFFFFC0] =	vst v19;
	v14 =	vadd.f32 v22, v14  }
0x61: {  	v23 =	vld [tilespmem:s28+$0xFFFFFFD0]  }
0x62: {  	v45 =	vld [tilespmem:s29+$0x10];
	[tilespmem:s29+$0x0] =	vst v14  }
0x63: {  	v24 =	vld [tilespmem:s28+$0x10];
	_ =	sdelay $0x2  }
0x64: {  	v22 =	vadd.f32 v23, v46;
	_ =	sdelay $0x1  }
0x65: {  	v47 =	vld [tilespmem:s15+$0xFFFFFFE0];
	v21 =	vadd.f32 v24, v45;
	[tilespmem:s15+$0xFFFFFFD0] =	vst v22  }
0x66: {  	v25 =	vld [tilespmem:s28+$0xFFFFFFE0]  }
0x67: {  	v48 =	vld [tilespmem:s29+$0x20];
	v11 =	vadd.f32 v18, v11;
	[tilespmem:s15+$0x10] =	vst v21  }
0x68: {  	v49 =	vld [tilespmem:s28+$0x20]  }
0x69: {  	v26 =	vld [tilespmem:s10+$0xFFFFFFF0];
	v8 =	vadd.f32 v20, v8;
	[tilespmem:s10+$0xFFFFFFE0] =	vst v11  }
0x6a: {  	v27 =	vld [tilespmem:s13+$0xFFFFFFF0]  }
0x6b: {  	v50 =	vld [tilespmem:s10+$0x30];
	[tilespmem:s10+$0x20] =	vst v8;
	v23 =	vadd.f32 v25, v47  }
0x6c: {  	v28 =	vld [tilespmem:s13+$0x30]  }
0x6d: {  	v51 =	vld [tilespmem:s15+$0xFFFFFFF0];
	v18 =	vadd.f32 v49, v48;
	[tilespmem:s15+$0xFFFFFFE0] =	vst v23  }
0x6e: {  	v29 =	vld [tilespmem:s28+$0xFFFFFFF0]  }
0x6f: {  	v52 =	vld [tilespmem:s15+$0x30];
	v26 =	vadd.f32 v27, v26;
	[tilespmem:s15+$0x20] =	vst v18  }
0x70: {  	v15 =	vadd.f32 v15, v17;
	v7 =	vadd.f32 v11, v7;
	v30 =	vld [tilespmem:s28+$0x30]  }
0x71: {  	v53 =	vadd.f32 v28, v50;
	v9 =	vadd.f32 v26, v9  }
0x72: {  	v6 =	vadd.f32 v19, v6;
	v7 =	vadd.f32 v8, v7  }
0x73: {  	v9 =	vadd.f32 v53, v9;
	v54 =	vadd.f32 v29, v51  }
0x74: {  	v15 =	vadd.f32 v22, v15;
	v7 =	vadd.f32 v23, v7  }
0x75: {  	v24 =	vadd.f32 v30, v52;
	v9 =	vadd.f32 v54, v9  }
0x76: {  	v6 =	vadd.f32 v14, v6;
	v15 =	vadd.f32 v21, v15  }
0x77: {  	v7 =	vadd.f32 v18, v7;
	v9 =	vadd.f32 v24, v9;
	_ =	sdelay $0x1  }
0x78: {  	[tilespmem:s10+$0xFFFFFFF0] =	vst v26;
	v6 =	vadd.f32 v15, v6;
	v7 =	vadd.f32 v9, v7  }
0x79: {  	[tilespmem:s10+$0x30] =	vst v53  }
0x7a: {  	[tilespmem:s15+$0xFFFFFFF0] =	vst v54;
	v6 =	vadd.f32 v7, v6  }
0x7b: {  	[tilespmem:s15+$0x30] =	vst v24  }
0x7c: {  	[tilespmem:$0x18800] =	vst v6  }
0x7d: {  	v7 =	vld.idx.msk [tilespmem:v0+s22+$0x0], $0xffff;
	_ =	sdelay $0x4  }
0x7e: {  	v6 =	vadd.f32 v7, v6;
	_ =	sdelay $0x1  }
0x7f: {  	[tilespmem:$0x18800] =	vst v6  }
0x80: {  	v13 =	vadd.f32 v16, v13;
	v11 =	vmul.f32 v11, v11;
	v7 =	vld.idx.msk [tilespmem:v1+s22+$0x0], $0xffff  }
0x81: {  	v10 =	vadd.f32 v10, v12;
	v12 =	vmul.f32 v26, v26;
	v9 =	vmul.f32 v19, v19  }
0x82: {  	v4 =	vadd.f32 v11, v4;
	v8 =	vmul.f32 v8, v8  }
0x83: {  	v11 =	vmul.f32 v53, v53;
	v5 =	vadd.f32 v9, v5;
	v9 =	vadd.f32 v12, v13  }
0x84: {  	v4 =	vadd.f32 v8, v4;
	v8 =	vmul.f32 v23, v23  }
0x85: {  	v9 =	vadd.f32 v11, v9;
	v11 =	vmul.f32 v54, v54;
	v6 =	vadd.f32 v7, v6  }
0x86: {  	v4 =	vadd.f32 v8, v4;
	v7 =	vmul.f32 v22, v22  }
0x87: {  	v12 =	vmul.f32 v14, v14;
	v9 =	vadd.f32 v11, v9;
	v11 =	vmul.f32 v24, v24;
	[tilespmem:$0x18800] =	vst v6  }
0x88: {  	v13 =	vmul.f32 v21, v21;
	v7 =	vadd.f32 v7, v10;
	v10 =	vmul.f32 v18, v18;
	v8 =	vld.idx.msk [tilespmem:v2+s22+$0x0], $0xffff  }
0x89: {  	v5 =	vadd.f32 v12, v5;
	v9 =	vadd.f32 v11, v9  }
0x8a: {  	v7 =	vadd.f32 v13, v7;
	v4 =	vadd.f32 v10, v4;
	_ =	sdelay $0x1  }
0x8b: {  	v5 =	vadd.f32 v7, v5;
	v4 =	vadd.f32 v9, v4  }
0x8c: {  	v6 =	vadd.f32 v8, v6  }
0x8d: {  	v4 =	vadd.f32 v4, v5  }
0x8e: {  	[tilespmem:$0x18800] =	vst v6  }
0x8f: {  	v5 =	vld.idx.msk [tilespmem:v3+s22+$0x0], $0xffff;
	[tilespmem:$0x18800] =	vst v4  }
0x90: {  	v7 =	vld.idx.msk [tilespmem:v0+s22+$0x0], $0xffff;
	_ =	sdelay $0x4  }
0x91: {  	v4 =	vadd.f32 v7, v4;
	_ =	sdelay $0x1  }
0x92: {  	[tilespmem:$0x18800] =	vst v4  }
0x93: {  	v7 =	vld.idx.msk [tilespmem:v1+s22+$0x0], $0xffff;
	_ =	sdelay $0x4  }
0x94: {  	v4 =	vadd.f32 v7, v4;
	_ =	sdelay $0x1  }
0x95: {  	[tilespmem:$0x18800] =	vst v4  }
0x96: {  	v7 =	vld.idx.msk [tilespmem:v2+s22+$0x0], $0xffff;
	_ =	sdelay $0x4  }
0x97: {  	v7 =	vadd.f32 v7, v4;
	_ =	sdelay $0x1  }
0x98: {  	[tilespmem:$0x18800] =	vst v7  }
0x99: {  	v8 =	vld.idx.msk [tilespmem:v3+s22+$0x0], $0xffff;
	_ =	sdelay $0x2  }
0x9a: {  	v4 =	vadd.f32 v5, v6;
	_ =	sdelay $0x1  }
0x9b: {  	v4 =	vmul.f32 $9.765625000e-04, v4;
	v5 =	vadd.f32 v8, v7;
	_ =	sdelay $0x1  }
0x9c: {  	v6 =	vmul.f32 v4, v4;
	v5 =	vmul.f32 $9.765625000e-04, v5;
	_ =	sdelay $0x1  }
0x9d: {  	v5 =	vsub.f32 v5, v6;
	_ =	sdelay $0x1  }
0x9e: {  	v5 =	vmax.f32 v5, $0.0e+00  }
0x9f: {  	v6 =	vshrl.u32 v5, $0x1;
	v7 =	vmul.f32 $5.000000000e-01, v5  }
0xa0: {  	v6 =	vsub.s32 $0x5F3759DF, v6  }
0xa1: {  	v8 =	vmul.f32 v6, v7;
	_ =	sdelay $0x1  }
0xa2: {  	v8 =	vmul.f32 v6, v8;
	_ =	sdelay $0x1  }
0xa3: {  	v8 =	vsub.f32 $1.500000000e+00, v8;
	_ =	sdelay $0x1  }
0xa4: {  	v6 =	vmul.f32 v6, v8;
	_ =	sdelay $0x1  }
0xa5: {  	v8 =	vmul.f32 v6, v7;
	_ =	sdelay $0x1  }
0xa6: {  	v8 =	vmul.f32 v8, v6;
	_ =	sdelay $0x1  }
0xa7: {  	v8 =	vsub.f32 $1.500000000e+00, v8;
	_ =	sdelay $0x1  }
0xa8: {  	v6 =	vmul.f32 v8, v6;
	_ =	sdelay $0x1  }
0xa9: {  	v8 =	vmul.f32 v6, v7;
	_ =	sdelay $0x1  }
0xaa: {  	v8 =	vmul.f32 v8, v6;
	_ =	sdelay $0x1  }
0xab: {  	v8 =	vsub.f32 $1.500000000e+00, v8;
	_ =	sdelay $0x1  }
0xac: {  	v6 =	vmul.f32 v8, v6;
	_ =	sdelay $0x1  }
0xad: {  	v7 =	vmul.f32 v6, v7;
	_ =	sdelay $0x1  }
0xae: {  	v7 =	vmul.f32 v7, v6;
	_ =	sdelay $0x1  }
0xaf: {  	v7 =	vsub.f32 $1.500000000e+00, v7;
	_ =	sdelay $0x1  }
0xb0: {  	v6 =	vmul.f32 v7, v6;
	_ =	sdelay $0x1  }
0xb1: {  	v5 =	vmul.f32 v6, v5;
	_ =	sdelay $0x1  }
0xb2: {  	v5 =	vadd.f32 $9.999999960e-13, v5;
	_ =	sdelay $0x1  }
0xb3: {  	v6 =	vshrl.u32 v5, $0x1;
	v5 =	vmul.f32 $5.000000000e-01, v5  }
0xb4: {  	v6 =	vsub.s32 $0x5F3759DF, v6  }
0xb5: {  	v7 =	vmul.f32 v6, v5;
	_ =	sdelay $0x1  }
0xb6: {  	v7 =	vmul.f32 v6, v7;
	_ =	sdelay $0x1  }
0xb7: {  	v7 =	vsub.f32 $1.500000000e+00, v7;
	_ =	sdelay $0x1  }
0xb8: {  	v6 =	vmul.f32 v6, v7;
	_ =	sdelay $0x1  }
0xb9: {  	v7 =	vmul.f32 v6, v5;
	_ =	sdelay $0x1  }
0xba: {  	v7 =	vmul.f32 v7, v6;
	_ =	sdelay $0x1  }
0xbb: {  	v7 =	vsub.f32 $1.500000000e+00, v7;
	_ =	sdelay $0x1  }
0xbc: {  	v6 =	vmul.f32 v7, v6;
	_ =	sdelay $0x1  }
0xbd: {  	v7 =	vmul.f32 v6, v5;
	_ =	sdelay $0x1  }
0xbe: {  	v7 =	vmul.f32 v7, v6  }
0xbf: {  	v9 =	vld [tilespmem:s9+$0xFFFFFFE0]  }
0xc0: {  	s15 =	simm.s32 $0x18020;
	v10 =	vld [tilespmem:s9+$0xFFFFFFF0];
	v7 =	vsub.f32 $1.500000000e+00, v7  }
0xc1: {  	v11 =	vld [tilespmem:s15+$0x10]  }
0xc2: {  	s30 =	simm.s32 $0x18420;
	v12 =	vld [tilespmem:s15+$0xFFFFFFF0];
	v6 =	vmul.f32 v7, v6  }
0xc3: {  	v13 =	vld [tilespmem:s30+$0x10]  }
0xc4: {  	v14 =	vld [tilespmem:s15+$0x0];
	v5 =	vmul.f32 v6, v5  }
0xc5: {  	v8 =	vld [tilespmem:s9+$0x10]  }
0xc6: {  	v15 =	vld [tilespmem:s15+$0xFFFFFFE0];
	v5 =	vmul.f32 v5, v6  }
0xc7: {  	v55 =	vld [tilespmem:s30+$0xFFFFFFE0]  }
0xc8: {  	v7 =	vld [tilespmem:s9+$0x0];
	v5 =	vsub.f32 $1.500000000e+00, v5  }
0xc9: {  	s28 =	sadd.s32 $0x40, s9;
	v56 =	vld [tilespmem:s30+$0xFFFFFFF0]  }
0xca: {  	v57 =	vld [tilespmem:s28+$0x10];
	v5 =	vmul.f32 v5, v6;
	v6 =	vsub.f32 v8, v4  }
0xcb: {  	v58 =	vld [tilespmem:s28+$0xFFFFFFE0];
	v9 =	vsub.f32 v9, v4  }
0xcc: {  	v59 =	vld [tilespmem:s28+$0xFFFFFFF0];
	v10 =	vsub.f32 v10, v4;
	v6 =	vmul.f32 v6, v5  }
0xcd: {  	v7 =	vsub.f32 v7, v4;
	v8 =	vld [tilespmem:s30+$0x0];
	v9 =	vmul.f32 v9, v5  }
0xce: {  	s10 =	simm.s32 $0x18060;
	v10 =	vmul.f32 v10, v5;
	v6 =	vmul.f32 v6, v11;
	v11 =	vld [tilespmem:s28+$0x0]  }
0xcf: {  	s13 =	simm.s32 $0x18460;
	v7 =	vmul.f32 v7, v5;
	v9 =	vmul.f32 v9, v15;
	v15 =	vld [tilespmem:s10+$0x10]  }
0xd0: {  	v60 =	vld [tilespmem:s13+$0x10];
	v18 =	vsub.f32 v57, v4;
	v10 =	vmul.f32 v10, v12  }
0xd1: {  	v12 =	vld [tilespmem:s10+$0xFFFFFFF0];
	v7 =	vmul.f32 v7, v14;
	v14 =	vsub.f32 v59, v4;
	v13 =	vadd.f32 v6, v13  }
0xd2: {  	v61 =	vmul.f32 v18, v5;
	v9 =	vadd.f32 v9, v55;
	v10 =	vadd.f32 v10, v56;
	v6 =	vld [tilespmem:s10+$0x0]  }
0xd3: {  	[tilespmem:s17+$0x10] =	vst v13;
	v13 =	vadd.f32 v7, v8;
	v8 =	vld [tilespmem:s10+$0xFFFFFFE0];
	v11 =	vsub.f32 v11, v4  }
0xd4: {  	v62 =	vsub.f32 v58, v4;
	v63 =	vmul.f32 v14, v5;
	[tilespmem:s17+$0xFFFFFFE0] =	vst v9;
	v7 =	vld [tilespmem:s13+$0xFFFFFFE0];
	v15 =	vmul.f32 v61, v15  }
0xd5: {  	[tilespmem:s17+$0xFFFFFFF0] =	vst v10;
	v9 =	vld [tilespmem:s13+$0xFFFFFFF0];
	v14 =	vmul.f32 v11, v5  }
0xd6: {  	s29 =	sadd.s32 $0x40, s28;
	s15 =	simm.s32 $0x4;
	s28 =	smov.u32 s17;
	v10 =	vmul.f32 v62, v5;
	v12 =	vmul.f32 v63, v12;
	[tilespmem:s17+$0x0] =	vst v13;
	v11 =	vld [tilespmem:s13+$0x0];
	v13 =	vadd.f32 v15, v60  }
.LBB2_6:
0xd7: {  	v15 =	vld [tilespmem:s29+$0x10];
	s15 =	sadd.s32 $0x4, s15;
	v6 =	vmul.f32 v14, v6;
	s28 =	sadd.s32 $0x40, s28  }
0xd8: {  	v14 =	vld [tilespmem:s29+$0xFFFFFFE0];
	p1 =	slt.u32 s15, $0x3C;
	v8 =	vmul.f32 v10, v8;
	[tilespmem:s28+$0x10] =	vst v13  }
0xd9: {  	v10 =	vld [tilespmem:s29+$0xFFFFFFF0]  }
0xda: {  	s10 =	sadd.s32 $0x40, s10;
	v13 =	vld [tilespmem:s29+$0x0];
	v7 =	vadd.f32 v8, v7;
	v8 =	vadd.f32 v12, v9  }
0xdb: {  	v9 =	vld [tilespmem:s10+$0x10];
	v11 =	vadd.f32 v6, v11  }
0xdc: {  	s13 =	sadd.s32 $0x40, s13;
	v12 =	vld [tilespmem:s10+$0xFFFFFFF0];
	v15 =	vsub.f32 v15, v4;
	[tilespmem:s28+$0xFFFFFFE0] =	vst v7  }
0xdd: {  	v7 =	vsub.f32 v14, v4;
	v16 =	vld [tilespmem:s13+$0x10];
	[tilespmem:s28+$0xFFFFFFF0] =	vst v8  }
.Ltmp1:
0xde: {  	v14 =	vsub.f32 v10, v4;
	v6 =	vld [tilespmem:s10+$0x0];
	v15 =	vmul.f32 v15, v5;
	[tilespmem:s28+$0x0] =	vst v11;
	(pc) =	sbr.rel @p1 .LBB2_6-.Ltmp1, $4  }
0xdf: {  	v8 =	vld [tilespmem:s10+$0xFFFFFFE0];
	v10 =	vmul.f32 v7, v5;
	v11 =	vsub.f32 v13, v4  }
0xe0: {  	v7 =	vld [tilespmem:s13+$0xFFFFFFE0];
	v13 =	vmul.f32 v14, v5;
	v15 =	vmul.f32 v15, v9  }
0xe1: {  	v9 =	vld [tilespmem:s13+$0xFFFFFFF0];
	v14 =	vmul.f32 v11, v5  }
0xe2: {  	s29 =	sadd.s32 $0x40, s29;
	v12 =	vmul.f32 v13, v12;
	v11 =	vld [tilespmem:s13+$0x0];
	v13 =	vadd.f32 v15, v16  }
0xe3: {  	_ = 	snop  }
0xe4: {  	s4 =	sadd.s32 $0x1, s4;
	v4 =	vmul.f32 v10, v8  }
0xe5: {  	p1 =	sne.s32 s4, $0x10  }
.Ltmp2:
0xe6: {  	v5 =	vmul.f32 v14, v6;
	s10 =	sadd.s32 $0x40, s28;
	v4 =	vadd.f32 v4, v7;
	(pc) =	sbr.rel @p1 .LBB2_3-.Ltmp2, $4  }
0xe7: {  	[tilespmem:s10+$0x10] =	vst v13;
	v63 =	vadd.f32 v12, v9  }
0xe8: {  	v5 =	vadd.f32 v5, v11;
	[tilespmem:s10+$0xFFFFFFE0] =	vst v4  }
0xe9: {  	s14 =	sadd.s32 $0x400, s14;
	[tilespmem:s10+$0xFFFFFFF0] =	vst v63  }
0xea: {  	s16 =	sadd.s32 $0x400, s16;
	s17 =	sadd.s32 $0x400, s17;
	s9 =	sadd.s32 $0x400, s9;
	[tilespmem:s10+$0x0] =	vst v5  }
0xeb: {  	s2 =	sadd.s32 s2, s11;
	p1 =	seq.s32 s31, $0x1F  }
0xec: {  	[hbm4b:s2+s5] =	stream.linear.scatter [tilespmem:s23], [sflag:$0x3], $0x4000, $0x38;
	[tilespmem:$0x18880] =	vst v63  }
0xed: {  	s2 =	sadd.s32 @!p1 s3, s12  }
0xee: {  	s2 =	sshll.u32 @!p1 s2, $0x7  }
0xef: {  	s3 =	sand.u32 @!p1 $0x1FFFF000, s2  }
0xf0: {  	s4 =	simm.s32 @!p1 $0x0;
	s2 =	sand.u32 @!p1 $0xFF000, s2;
	s3 =	sadd.s32 @!p1 s1, s3  }
0xf1: {  	[tilespmem:s4], [sflag:$0x1] =	stream.linear.gather @!p1 [hbm4b:s3+s4], $0x4000, $0x38;
	[tilespmem:$0x18880] =	vst v63  }
0xf2: {  	s2 =	sadd.s32 @!p1 s6, s2;
	s3 =	simm.s32 @!p1 $0x8000  }
0xf3: {  	[tilespmem:s3], [sflag:$0x2] =	stream.linear.gather @!p1 [hbm4b:s2+s4], $0x4000, $0x38;
	[tilespmem:$0x18880] =	vst v63  }
0xf4: {  	_ =	swait.ge [sflag:s24], $0x4000  }
0xf5: {  	[sflag:s24] =	ssyncset.done $0x0  }
0xf6: {  	[sflag:s24] =	ssyncadd.s32 $0xFFFFC000  }
0xf7: {  	_ =	swait.ge [sflag:s25], $0x4000  }
0xf8: {  	[sflag:s25] =	ssyncset.done $0x0  }
0xf9: {  	s2 =	simm.s32 @!p0 $0x6;
	[sflag:s25] =	ssyncadd.s32 $0xFFFFC000  }
0xfa: {  	_ =	swait.ge @!p0 [sflag:s2], $0x4000  }
0xfb: {  	s9 =	simm.s32 $0x0;
	s3 =	simm.s32 $0x10000;
	[sflag:s2] =	ssyncset.done @!p0 $0x0  }
0xfc: {  	s4 =	simm.s32 $0x0;
	[sflag:s2] =	ssyncadd.s32 @!p0 $0xFFFFC000;
	s2 =	simm.s32 $0x0  }
.LBB2_9:
0xfd: {  	s10 =	sshra.s32 s4, $0x2  }
0xfe: {  	v10 =	vld [tilespmem:s10+$0x4040]  }
0xff: {  	v11 =	vld [tilespmem:s10+$0xC040]  }
0x100: {  	v12 =	vld [tilespmem:s10+$0x4060]  }
0x101: {  	v4 =	vld [tilespmem:s10+$0xC070]  }
0x102: {  	v13 =	vld [tilespmem:s10+$0xC050]  }
0x103: {  	v5 =	vld [tilespmem:s10+$0x4070]  }
0x104: {  	v6 =	vld [tilespmem:s10+$0xC030]  }
0x105: {  	v7 =	vld [tilespmem:s10+$0x4030]  }
0x106: {  	v16 =	vld [tilespmem:s10+$0x4050]  }
0x107: {  	v19 =	vld [tilespmem:s10+$0xC010]  }
0x108: {  	v21 =	vld [tilespmem:s10+$0x4010]  }
0x109: {  	v17 =	vimm.f32 $0.0e+00;
	v20 =	vld [tilespmem:s10+$0xC000]  }
0x10a: {  	v18 =	vimm.f32 $0.0e+00;
	v15 =	vimm.f32 $0.0e+00;
	v22 =	vld [tilespmem:s10+$0xC020];
	v4 =	vadd.f32 v4, v5  }
0x10b: {  	v9 =	vimm.f32 $0.0e+00;
	v14 =	vimm.f32 $0.0e+00;
	v23 =	vld [tilespmem:s10+$0x4000];
	v8 =	vadd.f32 v6, v7  }
0x10c: {  	s13 =	simm.s32 $0x0;
	s14 =	sadd.s32 $0x200, s4;
	v24 =	vld [tilespmem:s10+$0x4020];
	v6 =	vimm.f32 $0.0e+00;
	v7 =	vimm.f32 $0.0e+00;
	v5 =	vimm.f32 $0.0e+00;
	[tilespmem:s10+$0x4070] =	vst v4  }
.LBB2_10:
0x10d: {  	s15 =	sshra.s32 s14, $0x2;
	s13 =	sadd.s32 $0x2, s13;
	v25 =	vadd.f32 v13, v16;
	v16 =	vld [tilespmem:s10+$0xC060]  }
0x10e: {  	v26 =	vld [tilespmem:s15+$0x4040];
	p0 =	slt.u32 s13, $0xE  }
0x10f: {  	v19 =	vadd.f32 v19, v21;
	v27 =	vld [tilespmem:s15+$0xC040];
	[tilespmem:s10+$0x4050] =	vst v25;
	v21 =	vmul.f32 v25, v25  }
0x110: {  	v17 =	vadd.f32 v8, v17;
	v29 =	vadd.f32 v11, v10;
	v28 =	vld [tilespmem:s15+$0x4060]  }
0x111: {  	v20 =	vadd.f32 v20, v23;
	v30 =	vld [tilespmem:s15+$0xC070];
	v31 =	vadd.f32 v22, v24;
	[tilespmem:s10+$0x4030] =	vst v8  }
0x112: {  	v32 =	vmul.f32 v19, v19;
	v22 =	vmul.f32 v29, v29;
	v13 =	vld [tilespmem:s15+$0xC050];
	[tilespmem:s10+$0x4040] =	vst v29;
	v23 =	vadd.f32 v16, v12  }
0x113: {  	v18 =	vadd.f32 v19, v18;
	v33 =	vmul.f32 v20, v20;
	v16 =	vld [tilespmem:s15+$0x4050];
	[tilespmem:s10+$0x4010] =	vst v19;
	v19 =	vmul.f32 v31, v31  }
0x114: {  	v6 =	vadd.f32 v32, v6;
	v15 =	vadd.f32 v31, v15;
	v10 =	vmovc v26;
	v24 =	vld [tilespmem:s15+$0x4070];
	[tilespmem:s10+$0x4020] =	vst v31;
	v11 =	vmov v27  }
0x115: {  	v8 =	vmul.f32 v8, v8;
	v7 =	vadd.f32 v33, v7;
	v26 =	vld [tilespmem:s15+$0xC030];
	[tilespmem:s10+$0x4000] =	vst v20;
	v9 =	vadd.f32 v19, v9  }
0x116: {  	v17 =	vadd.f32 v4, v17;
	v14 =	vadd.f32 v20, v14;
	v12 =	vmov v28;
	v27 =	vld [tilespmem:s15+$0x4030];
	[tilespmem:s10+$0x4060] =	vst v23;
	s10 =	smov.u32 s15  }
0x117: {  	v6 =	vadd.f32 v21, v6;
	v15 =	vadd.f32 v23, v15;
	v23 =	vmul.f32 v23, v23;
	v19 =	vld [tilespmem:s10+$0xC010]  }
.Ltmp3:
0x118: {  	v5 =	vadd.f32 v8, v5;
	v14 =	vadd.f32 v29, v14;
	v28 =	vmul.f32 v4, v4;
	v21 =	vld [tilespmem:s10+$0x4010];
	(pc) =	sbr.rel @p0 .LBB2_10-.Ltmp3, $4  }
0x119: {  	v7 =	vadd.f32 v22, v7;
	v20 =	vld [tilespmem:s10+$0xC000];
	v4 =	vadd.f32 v30, v24  }
0x11a: {  	v18 =	vadd.f32 v25, v18;
	v9 =	vadd.f32 v23, v9;
	v22 =	vld [tilespmem:s10+$0xC020]  }
0x11b: {  	v5 =	vadd.f32 v28, v5;
	v23 =	vld [tilespmem:s10+$0x4000];
	v8 =	vadd.f32 v26, v27;
	[tilespmem:s10+$0x4070] =	vst v4  }
0x11c: {  	s14 =	sadd.s32 $0x200, s14;
	v24 =	vld [tilespmem:s10+$0x4020]  }
0x11d: {  	v25 =	vld [tilespmem:s10+$0xC060];
	_ =	sdelay $0x1  }
0x11e: {  	v13 =	vadd.f32 v13, v16;
	v16 =	vadd.f32 v19, v21  }
0x11f: {  	v17 =	vadd.f32 v8, v17;
	v10 =	vadd.f32 v11, v10  }
0x120: {  	v11 =	vadd.f32 v20, v23;
	v19 =	vadd.f32 v22, v24  }
0x121: {  	v18 =	vadd.f32 v16, v18;
	v12 =	vadd.f32 v25, v12  }
0x122: {  	v14 =	vadd.f32 v11, v14;
	v15 =	vadd.f32 v19, v15  }
0x123: {  	[tilespmem:s10+$0x4030] =	vst v8;
	v17 =	vadd.f32 v4, v17;
	v18 =	vadd.f32 v13, v18  }
0x124: {  	[tilespmem:s10+$0x4050] =	vst v13;
	v14 =	vadd.f32 v10, v14;
	v15 =	vadd.f32 v12, v15  }
0x125: {  	[tilespmem:s10+$0x4040] =	vst v10  }
0x126: {  	[tilespmem:s10+$0x4010] =	vst v16;
	v14 =	vadd.f32 v18, v14;
	v15 =	vadd.f32 v17, v15  }
0x127: {  	[tilespmem:s10+$0x4000] =	vst v11  }
0x128: {  	[tilespmem:s10+$0x4020] =	vst v19;
	v14 =	vadd.f32 v15, v14  }
0x129: {  	[tilespmem:s10+$0x4060] =	vst v12  }
0x12a: {  	[tilespmem:$0x18800] =	vst v14  }
0x12b: {  	v15 =	vld.idx.msk [tilespmem:v0+s22+$0x0], $0xffff;
	_ =	sdelay $0x4  }
0x12c: {  	v14 =	vadd.f32 v15, v14;
	_ =	sdelay $0x1  }
0x12d: {  	[tilespmem:$0x18800] =	vst v14  }
0x12e: {  	v15 =	vld.idx.msk [tilespmem:v1+s22+$0x0], $0xffff;
	_ =	sdelay $0x3  }
0x12f: {  	v8 =	vmul.f32 v8, v8  }
0x130: {  	v16 =	vmul.f32 v16, v16;
	v4 =	vmul.f32 v4, v4;
	v14 =	vadd.f32 v15, v14  }
0x131: {  	v5 =	vadd.f32 v8, v5;
	v11 =	vmul.f32 v11, v11;
	v15 =	vmul.f32 v19, v19  }
0x132: {  	v13 =	vmul.f32 v13, v13;
	v6 =	vadd.f32 v16, v6;
	v10 =	vmul.f32 v10, v10;
	[tilespmem:$0x18800] =	vst v14  }
0x133: {  	v7 =	vadd.f32 v11, v7;
	v12 =	vmul.f32 v12, v12;
	v9 =	vadd.f32 v15, v9;
	v11 =	vld.idx.msk [tilespmem:v2+s22+$0x0], $0xffff  }
0x134: {  	v4 =	vadd.f32 v4, v5;
	v6 =	vadd.f32 v13, v6  }
0x135: {  	v7 =	vadd.f32 v10, v7;
	v8 =	vadd.f32 v12, v9;
	_ =	sdelay $0x1  }
0x136: {  	v5 =	vadd.f32 v6, v7;
	v4 =	vadd.f32 v4, v8  }
0x137: {  	v6 =	vadd.f32 v11, v14  }
0x138: {  	v4 =	vadd.f32 v4, v5  }
0x139: {  	[tilespmem:$0x18800] =	vst v6  }
0x13a: {  	v5 =	vld.idx.msk [tilespmem:v3+s22+$0x0], $0xffff;
	[tilespmem:$0x18800] =	vst v4  }
0x13b: {  	v7 =	vld.idx.msk [tilespmem:v0+s22+$0x0], $0xffff;
	_ =	sdelay $0x4  }
0x13c: {  	v4 =	vadd.f32 v7, v4;
	_ =	sdelay $0x1  }
0x13d: {  	[tilespmem:$0x18800] =	vst v4  }
0x13e: {  	v7 =	vld.idx.msk [tilespmem:v1+s22+$0x0], $0xffff;
	_ =	sdelay $0x4  }
0x13f: {  	v4 =	vadd.f32 v7, v4;
	_ =	sdelay $0x1  }
0x140: {  	[tilespmem:$0x18800] =	vst v4  }
0x141: {  	v7 =	vld.idx.msk [tilespmem:v2+s22+$0x0], $0xffff;
	_ =	sdelay $0x4  }
0x142: {  	v7 =	vadd.f32 v7, v4;
	_ =	sdelay $0x1  }
0x143: {  	[tilespmem:$0x18800] =	vst v7  }
0x144: {  	v8 =	vld.idx.msk [tilespmem:v3+s22+$0x0], $0xffff;
	_ =	sdelay $0x2  }
0x145: {  	v4 =	vadd.f32 v5, v6;
	_ =	sdelay $0x1  }
0x146: {  	v4 =	vmul.f32 $9.765625000e-04, v4;
	v5 =	vadd.f32 v8, v7;
	_ =	sdelay $0x1  }
0x147: {  	v6 =	vmul.f32 v4, v4;
	v5 =	vmul.f32 $9.765625000e-04, v5;
	_ =	sdelay $0x1  }
0x148: {  	v5 =	vsub.f32 v5, v6;
	_ =	sdelay $0x1  }
0x149: {  	v5 =	vmax.f32 v5, $0.0e+00  }
0x14a: {  	v6 =	vshrl.u32 v5, $0x1;
	v7 =	vmul.f32 $5.000000000e-01, v5  }
0x14b: {  	v6 =	vsub.s32 $0x5F3759DF, v6  }
0x14c: {  	v8 =	vmul.f32 v6, v7;
	_ =	sdelay $0x1  }
0x14d: {  	v8 =	vmul.f32 v6, v8;
	_ =	sdelay $0x1  }
0x14e: {  	v8 =	vsub.f32 $1.500000000e+00, v8;
	_ =	sdelay $0x1  }
0x14f: {  	v6 =	vmul.f32 v6, v8;
	_ =	sdelay $0x1  }
0x150: {  	v8 =	vmul.f32 v6, v7;
	_ =	sdelay $0x1  }
0x151: {  	v8 =	vmul.f32 v8, v6;
	_ =	sdelay $0x1  }
0x152: {  	v8 =	vsub.f32 $1.500000000e+00, v8;
	_ =	sdelay $0x1  }
0x153: {  	v6 =	vmul.f32 v8, v6;
	_ =	sdelay $0x1  }
0x154: {  	v8 =	vmul.f32 v6, v7;
	_ =	sdelay $0x1  }
0x155: {  	v8 =	vmul.f32 v8, v6;
	_ =	sdelay $0x1  }
0x156: {  	v8 =	vsub.f32 $1.500000000e+00, v8;
	_ =	sdelay $0x1  }
0x157: {  	v6 =	vmul.f32 v8, v6;
	_ =	sdelay $0x1  }
0x158: {  	v7 =	vmul.f32 v6, v7;
	_ =	sdelay $0x1  }
0x159: {  	v7 =	vmul.f32 v7, v6;
	_ =	sdelay $0x1  }
0x15a: {  	v7 =	vsub.f32 $1.500000000e+00, v7;
	_ =	sdelay $0x1  }
0x15b: {  	v6 =	vmul.f32 v7, v6;
	_ =	sdelay $0x1  }
0x15c: {  	v5 =	vmul.f32 v6, v5;
	_ =	sdelay $0x1  }
0x15d: {  	v5 =	vadd.f32 $9.999999960e-13, v5;
	_ =	sdelay $0x1  }
0x15e: {  	v6 =	vshrl.u32 v5, $0x1;
	v7 =	vmul.f32 $5.000000000e-01, v5  }
0x15f: {  	v5 =	vsub.s32 $0x5F3759DF, v6  }
0x160: {  	v6 =	vmul.f32 v5, v7;
	_ =	sdelay $0x1  }
0x161: {  	v6 =	vmul.f32 v5, v6;
	_ =	sdelay $0x1  }
0x162: {  	v6 =	vsub.f32 $1.500000000e+00, v6;
	_ =	sdelay $0x1  }
0x163: {  	v5 =	vmul.f32 v5, v6;
	_ =	sdelay $0x1  }
0x164: {  	v6 =	vmul.f32 v5, v7;
	_ =	sdelay $0x1  }
0x165: {  	v6 =	vmul.f32 v6, v5;
	_ =	sdelay $0x1  }
0x166: {  	v6 =	vsub.f32 $1.500000000e+00, v6;
	_ =	sdelay $0x1  }
0x167: {  	v6 =	vmul.f32 v6, v5;
	_ =	sdelay $0x1  }
0x168: {  	v5 =	vmul.f32 v6, v7;
	_ =	sdelay $0x1  }
0x169: {  	v8 =	vmul.f32 v5, v6;
	_ =	sdelay $0x1  }
0x16a: {  	v5 =	vmov s2;
	v8 =	vsub.f32 $1.500000000e+00, v8;
	_ =	sdelay $0x1  }
0x16b: {  	v6 =	vmul.f32 v8, v6  }
0x16c: {  	s10 =	simm.s32 $0x0  }
0x16d: {  	v16 =	vld [tilespmem:s10+$0x18030];
	v7 =	vmul.f32 v6, v7  }
0x16e: {  	v10 =	vld.idx.msk [tilespmem:v5+s10+$0x4030 ss:$0x1], $0xffff  }
0x16f: {  	v11 =	vld.idx.msk [tilespmem:v5+s10+$0x4000 ss:$0x1], $0xffff;
	v7 =	vmul.f32 v7, v6  }
0x170: {  	v12 =	vld.idx.msk [tilespmem:v5+s10+$0x4010 ss:$0x1], $0xffff  }
0x171: {  	v13 =	vld.idx.msk [tilespmem:v5+s10+$0x4020 ss:$0x1], $0xffff;
	v7 =	vsub.f32 $1.500000000e+00, v7  }
0x172: {  	v9 =	vld [tilespmem:s10+$0x18010]  }
0x173: {  	v8 =	vld [tilespmem:s10+$0x18000];
	v7 =	vmul.f32 v7, v6;
	v6 =	vsub.f32 v10, v4  }
0x174: {  	v14 =	vsub.f32 v11, v4;
	v10 =	vld [tilespmem:s10+$0x18430]  }
0x175: {  	v15 =	vsub.f32 v12, v4;
	v11 =	vld [tilespmem:s10+$0x18020];
	v18 =	vmul.f32 v6, v7  }
0x176: {  	v12 =	vld [tilespmem:s10+$0x18400];
	v17 =	vsub.f32 v13, v4;
	v6 =	vmov s3;
	v14 =	vmul.f32 v14, v7  }
0x177: {  	s13 =	simm.s32 $0x0;
	s14 =	simm.s32 $0x100;
	v13 =	vld [tilespmem:s10+$0x18410];
	v15 =	vmul.f32 v15, v7;
	v16 =	vmul.f32 v18, v16  }
.LBB2_12:
0x178: {  	s15 =	sshra.s32 s14, $0x2;
	s13 =	sadd.s32 $0x4, s13;
	v8 =	vmul.f32 v14, v8;
	v14 =	vmul.f32 v17, v7;
	v17 =	vld [tilespmem:s10+$0x18420]  }
0x179: {  	v18 =	vld.idx.msk [tilespmem:v5+s15+$0x4030 ss:$0x1], $0xffff;
	p0 =	slt.u32 s13, $0x3C;
	v9 =	vmul.f32 v15, v9;
	v10 =	vadd.f32 v16, v10  }
0x17a: {  	v15 =	vld.idx.msk [tilespmem:v5+s15+$0x4000 ss:$0x1], $0xffff;
	v11 =	vmul.f32 v14, v11  }
0x17b: {  	v14 =	vld.idx.msk [tilespmem:v5+s15+$0x4010 ss:$0x1], $0xffff;
	v12 =	vadd.f32 v8, v12;
	[tilespmem:v6+s10+$0x4030 ss:$0x1] =	vst.idx.msk $0xffff, v10  }
0x17c: {  	v16 =	vld.idx.msk [tilespmem:v5+s15+$0x4020 ss:$0x1], $0xffff;
	v9 =	vadd.f32 v9, v13  }
0x17d: {  	v8 =	vld [tilespmem:s15+$0x18000];
	[tilespmem:v6+s10+$0x4000 ss:$0x1] =	vst.idx.msk $0xffff, v12;
	v10 =	vadd.f32 v11, v17  }
0x17e: {  	v19 =	vld [tilespmem:s15+$0x18030];
	[tilespmem:v6+s10+$0x4010 ss:$0x1] =	vst.idx.msk $0xffff, v9  }
.Ltmp4:
0x17f: {  	v12 =	vsub.f32 v18, v4;
	v9 =	vld [tilespmem:s15+$0x18010];
	[tilespmem:v6+s10+$0x4020 ss:$0x1] =	vst.idx.msk $0xffff, v10;
	s10 =	smov.u32 s15;
	(pc) =	sbr.rel @p0 .LBB2_12-.Ltmp4, $4  }
0x180: {  	v13 =	vsub.f32 v15, v4;
	v10 =	vld [tilespmem:s10+$0x18430]  }
0x181: {  	v15 =	vsub.f32 v14, v4;
	v18 =	vmul.f32 v12, v7;
	v11 =	vld [tilespmem:s10+$0x18020]  }
0x182: {  	v14 =	vmul.f32 v13, v7;
	v17 =	vsub.f32 v16, v4;
	v12 =	vld [tilespmem:s10+$0x18400]  }
0x183: {  	s14 =	sadd.s32 $0x100, s14;
	v15 =	vmul.f32 v15, v7;
	v13 =	vld [tilespmem:s10+$0x18410];
	v16 =	vmul.f32 v18, v19  }
0x184: {  	v4 =	vld [tilespmem:s10+$0x18420]  }
0x185: {  	v5 =	vmul.f32 v14, v8;
	v7 =	vmul.f32 v17, v7;
	s9 =	sadd.s32 $0x1, s9  }
0x186: {  	v62 =	vmul.f32 v15, v9;
	v63 =	vadd.f32 v16, v10;
	p0 =	sne.s32 s9, $0x10  }
.Ltmp5:
0x187: {  	v7 =	vmul.f32 v7, v11;
	v5 =	vadd.f32 v5, v12;
	(pc) =	sbr.rel @p0 .LBB2_9-.Ltmp5, $4  }
0x188: {  	[tilespmem:v6+s10+$0x4030 ss:$0x1] =	vst.idx.msk $0xffff, v63;
	v8 =	vadd.f32 v62, v13  }
0x189: {  	[tilespmem:v6+s10+$0x4000 ss:$0x1] =	vst.idx.msk $0xffff, v5;
	v4 =	vadd.f32 v7, v4  }
0x18a: {  	[tilespmem:v6+s10+$0x4010 ss:$0x1] =	vst.idx.msk $0xffff, v8  }
0x18b: {  	s4 =	sadd.s32 $0x1000, s4;
	s3 =	sadd.s32 $0x400, s3;
	s2 =	sadd.s32 $0x400, s2;
	[tilespmem:v6+s10+$0x4020 ss:$0x1] =	vst.idx.msk $0xffff, v4  }
0x18c: {  	s31 =	sadd.s32 $0x1, s31  }
0x18d: {  	p0 =	sne.s32 s31, $0x20  }
.Ltmp6:
0x18e: {  	_ = 	snop;
	(pc) =	sbr.rel @p0 .LBB2_2-.Ltmp6, $3  }
0x18f: {  	_ =	sdelay $0x1  }
0x190: {  	s0 =	sadd.s32 s7, s0  }
0x191: {  	[hbm4b:s0+s5] =	stream.linear.scatter [tilespmem:s26], [sflag:$0x6], $0x4000, $0x38;
	[tilespmem:$0x18880] =	vst v63  }
0x192: {  	s0 =	simm.s32 $0x3  }
0x193: {  	_ =	swait.ge [sflag:s0], $0x4000  }
0x194: {  	[sflag:s0] =	ssyncset.done $0x0  }
0x195: {  	s2 =	simm.s32 $0x6;
	[sflag:s0] =	ssyncadd.s32 $0xFFFFC000  }
0x196: {  	_ =	swait.ge [sflag:s2], $0x4000  }
0x197: {  	s3 =	rddreg [dreg:$0x8]  }
0x198: {  	s31 =	rddreg [dreg:$0x7];
	s3 =	sadd.s32 $0x1, s3  }
0x199: {  	p0 =	sne.s32 s3, s31  }
.Ltmp7:
0x19a: {  	_ = 	snop;
	(pc) =	sbr.rel @p0 .LBB2_1-.Ltmp7, $3  }
0x19b: {  	_ =	sdelay $0x1  }
0x19c: {  	[sflag:s2] =	ssyncset.done $0x0  }
0x19d: {  	[sflag:s2] =	ssyncadd.s32 $0xFFFFC000  }
0x19e: {  	_ =	sfence.sel $0x180000  }
0x19f: {  	[bflag:$0x0] =	sbarrier.arrive $0xFFFF  }
0x1a0: {  	_ =	strace $0x9000004D  }
0x1a1: {  	s0 =	stileid.u32;
	[bflag:$0x2] =	sbarrier.arrive $0xFFFF  }
0x1a2: {  	p0 =	sne.s32 s0, $0x0;
	s0 =	rddreg [dreg:$0x4]  }
0x1a3: {  	s0 =	sadd.s32 @!p0 $0x100000, s0  }
0x1a4: {  	[sflag:s0] =	ssyncadd.tile.s32 @!p0 $0x1;
	_ =	shalt  }
.Lfunc_end2:
_tile_overlayer_lowered:
.L_overlay_start_2:
0x1a5: {  	(tag) =	ssettag $0x2  }
0x1a6: {  	s0 =	rddreg [dreg:$0x0];
	s2 =	stileid.u32  }
0x1a7: {  	s1 =	rddreg [dreg:$0x1];
	p0 =	sne.s32 s2, $0x0  }
0x1a8: {  	s3 =	rddreg [dreg:$0x2];
	[bflag:$0x3] =	sbarrier.arrive $0xFFFF;
	s2 =	simm.s32 @!p0 $0x1C07  }
0x1a9: {  	[timem:s3], [sflag:s2] =	dma.local @!p0 [hbm:s0], s1  }
0x1aa: {  	s0 =	simm.s32 @!p0 $0x7  }
0x1ab: {  	_ =	swait.ge @!p0 [sflag:s0], s1  }
0x1ac: {  	s1 =	ssub.s32 @!p0 $0x0, s1;
	[sflag:s0] =	ssyncset.done @!p0 $0x0  }
0x1ad: {  	[sflag:s0] =	ssyncadd.s32 @!p0 s1  }
0x1ae: {  	[bflag:$0x3] =	sbarrier.arrive $0xFFFF  }
0x1af: {  	_ =	shalt  }

// kernel: sparse-core-data-format-call.1.cloned.1.call-start
scs
called_computation.1_lowered:
.L_overlay_start_0:
0x0: {  	s2 =	sld [smem:$0x3FD9]  }
0x1: {  	s3 =	sld [smem:$0x3FFE];
	_ =	sdelay $0x1  }
0x2: {  	s1 =	srdreg.scid  }
0x3: {  	s0 =	sand.u32 $0x1, s1  }
0x4: {  	s19 =	sshll.u32 s0, $0xA;
	s2 =	sadd.s32 s3, s2  }
0x5: {  	s2 =	sadd.s32 s2, s19  }
0x6: {  	[smem:$0x3FC4] =	sst s2  }
0x7: {  	_ = 	snop  }
0x8: {  	s20 =	sld [smem:$0x3FC9]  }
0x9: {  	s4 =	sld [smem:$0x3FD0];
	(tm) =	ssettm $0x1  }
0xa: {  	s21 =	sld [smem:$0x3FFB];
	_ =	sdelay $0x3  }
0xb: {  	_ =	strace s21  }
0xc: {  	s2 =	sld [smem:$0x3FFC];
	_ =	sdelay $0x3  }
0xd: {  	_ =	strace s2  }
0xe: {  	s2 =	sld [smem:$0x3FFD];
	_ =	sdelay $0x3  }
0xf: {  	_ =	strace s2  }
0x10: {  	_ =	strace $0x8FFFFFFF  }
0x11: {  	s22 =	sld [smem:$0x3FDB];
	_ =	sdelay $0x1  }
0x12: {  	s5 =	simm.s32 $_scs_section_size  }
0x13: {  	s6 =	simm.s32 $_size__tile_overlayer_lowered;
	s7 =	simm.s32 $_tile_overlayer_lowered  }
0x14: {  	s8 =	simm.s32 $0x1BFF;
	s23 =	sshll.u32 s7, $0x1;
	s5 =	sadd.s32 s5, s22  }
0x15: {  	s24 =	simm.s32 $0x0;
	s6 =	sshll.u32 s6, $0x1;
	s7 =	sadd.s32 s23, s5  }
0x16: {  	[timem:s24], [sflag:s8] =	dma.local [hbm:s7], s6  }
0x17: {  	_ =	swait.ge [sflag:s8], s6  }
0x18: {  	s6 =	ssub.s32 $0x0, s6;
	[sflag:s8] =	ssyncset.done $0x0  }
0x19: {  	[sflag:s8] =	ssyncadd.s32 s6;
	_ =	sdelay $0x1  }
0x1a: {  	s25 =	simm.s32 $0x1B8B  }
0x1b: {  	_ =	swait.ge [sflag:s25], $0x1  }
0x1c: {  	[sflag:s25] =	ssyncset.done $0x0  }
0x1d: {  	[sflag:s25] =	ssyncadd.s32 $0xFFFFFFFF  }
0x1e: {  	s6 =	sld [smem:$0x0]  }
0x1f: {  	s7 =	sand.u32 $0xFFFFFFFE, s1  }
0x20: {  	p0 =	sne.s32 s1, s7  }
0x21: {  	s7 =	sshll.u32 @p0 s7, $0xE  }
0x22: {  	s7 =	sadd.s32 @p0 $0x11B8D, s7;
	s8 =	sshll.u32 @p0 s6, $0x11  }
0x23: {  	s7 =	sor.u32 @p0 s8, s7  }
0x24: {  	[sflag:s7] =	ssyncadd.remote.s32 @p0 $0x1;
	_ =	sdelay $0x1  }
0x25: {  	s7 =	simm.s32 @p0 $0x1B8D  }
0x26: {  	_ =	swait.eq @p0 [sflag:s7], $0x1  }
0x27: {  	[sflag:s7] =	ssyncadd.s32 @p0 $0xFFFFFFFF  }
0x28: {  	s8 =	sshll.u32 @!p0 s1, $0xE  }
0x29: {  	s8 =	sor.u32 @!p0 $0x4000, s8;
	s7 =	simm.s32 @!p0 $0x1B8D  }
0x2a: {  	s6 =	sshll.u32 @!p0 s6, $0x11;
	s8 =	sadd.s32 @!p0 $0x11B8D, s8;
	_ =	swait.eq @!p0 [sflag:s7], $0x1  }
0x2b: {  	s6 =	sor.u32 @!p0 s6, s8;
	[sflag:s7] =	ssyncadd.s32 @!p0 $0xFFFFFFFF  }
0x2c: {  	s26 =	simm.s32 $0x1B8E;
	[sflag:s6] =	ssyncadd.remote.s32 @!p0 $0x1  }
0x2d: {  	s27 =	simm.s32 $execute0_lowered;
	[smem:$0x3FD2] =	sst s26  }
0x2e: {  	s6 =	sshll.u32 s27, $0x1;
	_ =	strace $0x80000049;
	[dreg:$0x1] =	wrdreg $0xFFFFFFFF  }
0x2f: {  	s28 =	simm.s32 $_size_execute0_lowered;
	s5 =	sadd.s32 s5, s6;
	[dreg:$0x0] =	wrdreg $0x0  }
0x30: {  	s6 =	sshll.u32 s28, $0x1;
	[dreg:$0x2] =	wrdreg s5  }
0x31: {  	[dreg:$0x3] =	wrdreg s6  }
0x32: {  	[dreg:$0x4] =	wrdreg $0xC0  }
0x33: {  	_ =	task [dreg:s24], $0x5FFFF  }
0x34: {  	[dreg:$0x1] =	wrdreg $0xFFFFFFFF  }
0x35: {  	[dreg:$0x0] =	wrdreg $0x60  }
0x36: {  	[dreg:$0x2] =	wrdreg s20  }
0x37: {  	[dreg:$0x3] =	wrdreg s4  }
0x38: {  	[dreg:$0x4] =	wrdreg $0xA  }
0x39: {  	_ =	task.clear_ibuf [dreg:s24], $0x5FFFF;
	_ =	strace $0x90000049  }
0x3a: {  	s29 =	simm.s32 $0xA;
	_ =	strace $0x8000004B  }
0x3b: {  	_ =	swait.ge [sflag:s29], $0x1  }
0x3c: {  	[sflag:s29] =	ssyncadd.s32 $0xFFFFFFFF  }
0x3d: {  	_ =	strace $0x9000004B  }
0x3e: {  	_ =	sfence  }
0x3f: {  	s30 =	sld [smem:$0x0];
	_ =	sdelay $0x2  }
0x40: {  	s31 =	sshll.u32 s1, $0xD;
	s1 =	sshrl.u32 s1, $0x2  }
0x41: {  	s4 =	sand.u32 $0x4000, s31;
	s1 =	sadd.s32 s1, s30  }
0x42: {  	s0 =	sor.u32 s4, s0;
	s1 =	sshll.u32 s1, $0x11  }
0x43: {  	s0 =	sor.u32 s1, s0  }
0x44: {  	s0 =	sadd.s32 $0x8F2B, s0  }
0x45: {  	[sflag:s0] =	ssyncadd.remote.s32 $0x1  }
0x46: {  	_ =	sfence.sel $0xFFFF  }
0x47: {  	[dreg:$0x0] =	wrdreg $0xFFFFFFFF;
	(pc) =	sbr.abs _section_cstart, $3  }
0x48: {  	[dreg:$0x1] =	wrdreg $0xFFFFFFFF  }
0x49: {  	_ =	task.clear_ibuf [dreg:s24], $0x2FFFF;
	_ =	strace $0x9FFFFFFF  }
0x4a: {  	(tm) =	ssettm $0x7FFFFFFF  }
0x4b: {  	_ =	shalt  }
tec
execute0_lowered:
.L_overlay_start_1:
0x0: {  	(tag) =	ssettag $0x1  }
0x1: {  	s0 =	srdreg.scid  }
0x2: {  	s1 =	sshll.u32 s0, $0x4  }
0x3: {  	s2 =	rddreg [dreg:$0x0];
	s0 =	stileid.u32;
	s1 =	sand.u32 $0x10, s1  }
0x4: {  	s4 =	rddreg [dreg:$0x1];
	s1 =	sor.u32 s0, s1  }
0x5: {  	s7 =	simm.s32 $0x1;
	s8 =	simm.s32 $0x2;
	s3 =	sshll.u32 s1, $0x1  }
0x6: {  	s9 =	simm.s32 $0x0;
	s12 =	simm.s32 $0x0;
	s6 =	ssub.s32 $0x1000, s3  }
.Ltmp0:
0x7: {  	s11 =	simm.s32 $0x0;
	s5 =	sand.u32 $0x3E, s6;
	(pc) =	sbr.rel .LBB1_1-.Ltmp0, $4  }
0x8: {  	s1 =	rddreg [dreg:$0x2];
	_ =	strace $0x8000004A;
	p0 =	sne.s32 s5, $0x0  }
0x9: {  	s6 =	sshrl.u32 s6, $0x6;
	s5 =	simm.s32 $0x1;
	s7 =	simm.s32 @!p0 $0x0  }
0xa: {  	s10 =	smov.u32 s3;
	[sflag:s5] =	ssyncpa.u1 $0x0;
	s6 =	sadd.s32 s7, s6  }
0xb: {  	[sflag:s8] =	ssyncpa.u1 $0x0;
	s8 =	simm.s32 $0x0;
	s7 =	sadd.s32 $0x1, s6  }
.LBB1_9:
0xc: {  	s14 =	sadd.s32 $0x40, s10  }
0xd: {  	p1 =	sgt.s32 s14, $0xFFF  }
0xe: {  	s14 =	smov.u32 @p1 s3;
	p1 =	sne.s32 s11, s7  }
.Ltmp1:
0xf: {  	p0 =	slt.u32 s11, $0x2;
	(pc) =	sbr.rel @!p1 .LBB1_10-.Ltmp1, $4  }
0x10: {  	s13 =	simm.s32 @!p0 $0x2  }
0x11: {  	s15 =	sadd.s32 $0x1, s11;
	_ =	swait.ge @!p0 [sflag:s13], $0x4000  }
0x12: {  	s12 =	smov.u32 s10;
	s9 =	sadd.s32 $0x4000, s9;
	[sflag:s13] =	ssyncset.done @!p0 $0x0  }
0x13: {  	s11 =	smov.u32 s15;
	s10 =	smov.u32 s14;
	[sflag:s13] =	ssyncadd.s32 @!p0 $0xFFFFC000  }
.LBB1_1:
0x14: {  	p0 =	sge.u32 s11, s6  }
0x15: {  	s13 =	sxor.u32 @!p0 $0xFFFFFFFF, s11  }
0x16: {  	s31 =	sadd.s32 $0xFFFFFFFF, s11;
	s14 =	sshll.u32 @!p0 s10, $0xA;
	s13 =	sshll.u32 @!p0 s13, $0xE  }
0x17: {  	s15 =	simm.s32 @!p0 $0x0;
	s14 =	sadd.s32 @!p0 s2, s14;
	s13 =	sand.u32 @!p0 $0x4000, s13  }
0x18: {  	[tilespmem:s13], [sflag:$0x1] =	stream.linear.gather @!p0 [hbm4b:s14+s15], $0x4000, $0x38;
	[tilespmem:$0x10000] =	vst v63  }
0x19: {  	p0 =	sge.u32 s31, s6  }
.Ltmp2:
0x1a: {  	_ = 	snop;
	(pc) =	sbr.rel @p0 .LBB1_9-.Ltmp2, $1  }
0x1b: {  	_ =	sdelay $0x3  }
0x1c: {  	s13 =	sshll.u32 s9, $0x2  }
0x1d: {  	_ =	swait.ge [sflag:s5], $0x4000;
	s14 =	sshll.u32 s11, $0xE;
	s16 =	simm.s32 $0x0  }
0x1e: {  	p1 =	por $0x1, $0x1;
	s13 =	sand.u32 $0x10000, s13;
	[sflag:s5] =	ssyncset.done $0x0  }
0x1f: {  	s14 =	sand.u32 $0x4000, s14;
	s15 =	sshrl.u32 s13, $0x2;
	[sflag:s5] =	ssyncadd.s32 $0xFFFFC000  }
0x20: {  	s13 =	sor.u32 $0x8000, s14;
	s14 =	sadd.s32 $0x8040, s15;
	s15 =	sadd.s32 $0x40, s15  }
.LBB1_3:
0x21: {  	s16 =	sshll.u32 s16, $0x2  }
0x22: {  	p0 =	por p1, p1;
	s17 =	sshra.s32 s16, $0x2  }
0x23: {  	s18 =	simm.s32 $0x0;
	s16 =	sadd.s32 s17, s14;
	s17 =	sadd.s32 s17, s15  }
.LBB1_4:
0x24: {  	v0 =	vmov s17;
	_ =	sdelay $0x3  }
0x25: {  	s20 =	simm.s32 $0x0  }
0x26: {  	v6 =	vld.idx.msk [tilespmem:v0+s20+$0x30 ss:$0x1], $0xffff  }
0x27: {  	v7 =	vld.idx.msk [tilespmem:v0+s20+$0xFFFFFFC0 ss:$0x1], $0xffff  }
0x28: {  	v5 =	vld.idx.msk [tilespmem:v0+s20+$0xFFFFFFD0 ss:$0x1], $0xffff  }
0x29: {  	v4 =	vld.idx.msk [tilespmem:v0+s20+$0xFFFFFFE0 ss:$0x1], $0xffff  }
0x2a: {  	v3 =	vld.idx.msk [tilespmem:v0+s20+$0xFFFFFFF0 ss:$0x1], $0xffff  }
0x2b: {  	v1 =	vld.idx.msk [tilespmem:v0+s20+$0x0 ss:$0x1], $0xffff  }
0x2c: {  	v2 =	vld.idx.msk [tilespmem:v0+s20+$0x10 ss:$0x1], $0xffff;
	[tilespmem:s16+$0x30] =	vst v6  }
0x2d: {  	s19 =	simm.s32 $0x80;
	s21 =	simm.s32 $0x400;
	[tilespmem:s16+$0xFFFFFFC0] =	vst v7;
	v6 =	vld.idx.msk [tilespmem:v0+s20+$0x20 ss:$0x1], $0xffff;
	s20 =	smov.u32 s16  }
.LBB1_5:
0x2e: {  	p1 =	sne.s32 s21, $0xE00;
	v7 =	vld.idx.msk [tilespmem:v0+s19+$0x30 ss:$0x1], $0xffff;
	[tilespmem:s20+$0xFFFFFFD0] =	vst v5  }
0x2f: {  	v8 =	vld.idx.msk [tilespmem:v0+s19+$0xFFFFFFC0 ss:$0x1], $0xffff;
	[tilespmem:s20+$0xFFFFFFE0] =	vst v4  }
0x30: {  	v5 =	vld.idx.msk [tilespmem:v0+s19+$0xFFFFFFD0 ss:$0x1], $0xffff;
	[tilespmem:s20+$0xFFFFFFF0] =	vst v3  }
.Ltmp3:
0x31: {  	v4 =	vld.idx.msk [tilespmem:v0+s19+$0xFFFFFFE0 ss:$0x1], $0xffff;
	[tilespmem:s20+$0x0] =	vst v1;
	(pc) =	sbr.rel @p1 .LBB1_5-.Ltmp3, $4  }
0x32: {  	v3 =	vld.idx.msk [tilespmem:v0+s19+$0xFFFFFFF0 ss:$0x1], $0xffff;
	[tilespmem:s20+$0x10] =	vst v2  }
0x33: {  	v1 =	vld.idx.msk [tilespmem:v0+s19+$0x0 ss:$0x1], $0xffff;
	[tilespmem:s20+$0x20] =	vst v6;
	s20 =	sadd.s32 $0x400, s20  }
0x34: {  	v2 =	vld.idx.msk [tilespmem:v0+s19+$0x10 ss:$0x1], $0xffff;
	[tilespmem:s20+$0x30] =	vst v7  }
0x35: {  	[tilespmem:s20+$0xFFFFFFC0] =	vst v8;
	v6 =	vld.idx.msk [tilespmem:v0+s19+$0x20 ss:$0x1], $0xffff;
	s19 =	sshra.s32 s21, $0x2;
	s21 =	sadd.s32 $0x200, s21  }
0x36: {  	_ =	sdelay $0x2  }
0x37: {  	[tilespmem:s20+$0xFFFFFFD0] =	vst v5  }
0x38: {  	v56 =	vld.idx.msk [tilespmem:v0+s19+$0x30 ss:$0x1], $0xffff;
	[tilespmem:s20+$0xFFFFFFE0] =	vst v4  }
0x39: {  	v57 =	vld.idx.msk [tilespmem:v0+s19+$0xFFFFFFC0 ss:$0x1], $0xffff;
	[tilespmem:s20+$0xFFFFFFF0] =	vst v3  }
0x3a: {  	v58 =	vld.idx.msk [tilespmem:v0+s19+$0xFFFFFFD0 ss:$0x1], $0xffff;
	[tilespmem:s20+$0x0] =	vst v1  }
0x3b: {  	v59 =	vld.idx.msk [tilespmem:v0+s19+$0xFFFFFFE0 ss:$0x1], $0xffff;
	[tilespmem:s20+$0x10] =	vst v2  }
0x3c: {  	v60 =	vld.idx.msk [tilespmem:v0+s19+$0xFFFFFFF0 ss:$0x1], $0xffff;
	s31 =	sadd.s32 $0x400, s20;
	[tilespmem:s20+$0x20] =	vst v6  }
0x3d: {  	v61 =	vld.idx.msk [tilespmem:v0+s19+$0x0 ss:$0x1], $0xffff;
	[tilespmem:s31+$0x30] =	vst v56  }
0x3e: {  	v62 =	vld.idx.msk [tilespmem:v0+s19+$0x10 ss:$0x1], $0xffff;
	s18 =	sadd.s32 $0x1, s18;
	[tilespmem:s31+$0xFFFFFFC0] =	vst v57  }
0x3f: {  	v63 =	vld.idx.msk [tilespmem:v0+s19+$0x20 ss:$0x1], $0xffff;
	p1 =	sne.s32 s18, $0x8;
	[tilespmem:s31+$0xFFFFFFD0] =	vst v58  }
.Ltmp4:
0x40: {  	[tilespmem:s31+$0xFFFFFFE0] =	vst v59;
	(pc) =	sbr.rel @p1 .LBB1_4-.Ltmp4, $4  }
0x41: {  	[tilespmem:s31+$0xFFFFFFF0] =	vst v60  }
0x42: {  	[tilespmem:s31+$0x0] =	vst v61  }
0x43: {  	[tilespmem:s31+$0x10] =	vst v62  }
0x44: {  	s16 =	sadd.s32 $0x80, s16;
	s17 =	sadd.s32 $0x400, s17;
	[tilespmem:s31+$0x20] =	vst v63  }
.Ltmp5:
0x45: {  	(pc) =	sbr.rel @p0 .LBB1_3-.Ltmp5, $2  }
0x46: {  	_ =	sdelay $0x2  }
0x47: {  	s16 =	simm.s32 $0x2000;
	p1 =	por $0x0, $0x0  }
.Ltmp6:
0x48: {  	(pc) =	sbr.rel .LBB1_9-.Ltmp6, $4  }
0x49: {  	_ = 	snop  }
0x4a: {  	s12 =	sshll.u32 s12, $0xA  }
0x4b: {  	s12 =	sadd.s32 s4, s12  }
0x4c: {  	[hbm4b:s12+s8] =	stream.linear.scatter [tilespmem:s13], [sflag:$0x2], $0x4000, $0x38;
	[tilespmem:$0x10000] =	vst v63  }
.LBB1_10:
0x4d: {  	_ =	sfence.sel $0x180000  }
0x4e: {  	s2 =	simm.s32 $0x1;
	[bflag:$0x0] =	sbarrier.arrive $0xFFFF  }
0x4f: {  	s31 =	simm.s32 $0x2;
	[sflag:s2] =	ssyncpa.u1 $0x1  }
0x50: {  	[sflag:s31] =	ssyncpa.u1 $0x1  }
0x51: {  	p0 =	sne.s32 s0, $0x0;
	_ =	strace $0x9000004A  }
0x52: {  	s0 =	sadd.s32 @!p0 $0x100000, s1;
	[bflag:$0x2] =	sbarrier.arrive $0xFFFF  }
0x53: {  	[sflag:s0] =	ssyncadd.tile.s32 @!p0 $0x1;
	_ =	shalt  }
.Lfunc_end1:
_tile_overlayer_lowered:
.L_overlay_start_2:
0x54: {  	(tag) =	ssettag $0x2  }
0x55: {  	s0 =	rddreg [dreg:$0x0];
	s2 =	stileid.u32  }
0x56: {  	s1 =	rddreg [dreg:$0x1];
	p0 =	sne.s32 s2, $0x0  }
0x57: {  	s3 =	rddreg [dreg:$0x2];
	[bflag:$0x3] =	sbarrier.arrive $0xFFFF;
	s2 =	simm.s32 @!p0 $0x1C01  }
0x58: {  	[timem:s3], [sflag:s2] =	dma.local @!p0 [hbm:s0], s1  }
0x59: {  	s0 =	simm.s32 @!p0 $0x1  }
0x5a: {  	_ =	swait.ge @!p0 [sflag:s0], s1  }
0x5b: {  	s1 =	ssub.s32 @!p0 $0x0, s1;
	[sflag:s0] =	ssyncset.done @!p0 $0x0  }
0x5c: {  	[sflag:s0] =	ssyncadd.s32 @!p0 s1  }
0x5d: {  	[bflag:$0x3] =	sbarrier.arrive $0xFFFF  }
0x5e: {  	_ =	shalt  }

// kernel: sparse-core-data-format-call.cloned.1.call-start
scs
called_computation_lowered:
.L_overlay_start_0:
0x0: {  	s2 =	sld [smem:$0x3FD9]  }
0x1: {  	s3 =	sld [smem:$0x3FFE];
	_ =	sdelay $0x1  }
0x2: {  	s1 =	srdreg.scid  }
0x3: {  	s0 =	sand.u32 $0x1, s1  }
0x4: {  	s18 =	sshll.u32 s0, $0xA;
	s2 =	sadd.s32 s3, s2  }
0x5: {  	s2 =	sadd.s32 s2, s18  }
0x6: {  	[smem:$0x3FC4] =	sst s2  }
0x7: {  	_ = 	snop  }
0x8: {  	s2 =	sld [smem:$0x3FC8];
	(tm) =	ssettm $0x1  }
0x9: {  	s19 =	sld [smem:$0x3FFB];
	_ =	sdelay $0x3  }
0xa: {  	_ =	strace s19  }
0xb: {  	s3 =	sld [smem:$0x3FFC];
	_ =	sdelay $0x3  }
0xc: {  	_ =	strace s3  }
0xd: {  	s3 =	sld [smem:$0x3FFD];
	_ =	sdelay $0x3  }
0xe: {  	_ =	strace s3  }
0xf: {  	_ =	strace $0x8FFFFFFF  }
0x10: {  	s20 =	sld [smem:$0x3FDB];
	_ =	sdelay $0x1  }
0x11: {  	s4 =	simm.s32 $_scs_section_size  }
0x12: {  	s5 =	simm.s32 $_size__tile_overlayer_lowered;
	s6 =	simm.s32 $_tile_overlayer_lowered  }
0x13: {  	s23 =	simm.s32 $0x1BFF;
	s22 =	sshll.u32 s6, $0x1;
	s3 =	sadd.s32 s4, s20  }
0x14: {  	s7 =	simm.s32 $0x0;
	s21 =	sshll.u32 s5, $0x1;
	s5 =	sadd.s32 s22, s3  }
0x15: {  	[timem:s7], [sflag:s23] =	dma.local [hbm:s5], s21  }
0x16: {  	_ =	swait.ge [sflag:s23], s21  }
0x17: {  	s4 =	ssub.s32 $0x0, s21;
	[sflag:s23] =	ssyncset.done $0x0  }
0x18: {  	[sflag:s23] =	ssyncadd.s32 s4;
	_ =	sdelay $0x1  }
0x19: {  	s24 =	simm.s32 $0x1B8B  }
0x1a: {  	_ =	swait.ge [sflag:s24], $0x1  }
0x1b: {  	[sflag:s24] =	ssyncset.done $0x0  }
0x1c: {  	s26 =	simm.s32 $0x1B8E;
	s25 =	sld [smem:$0x3FFE];
	[sflag:s24] =	ssyncadd.s32 $0xFFFFFFFF  }
0x1d: {  	s27 =	simm.s32 $execute0_lowered;
	[smem:$0x3FD2] =	sst s26  }
0x1e: {  	s5 =	sshll.u32 s27, $0x1;
	_ =	strace $0x80000046;
	[dreg:$0x1] =	wrdreg $0xFFFFFFFF  }
0x1f: {  	s28 =	simm.s32 $_size_execute0_lowered;
	s3 =	sadd.s32 s3, s5;
	[dreg:$0x0] =	wrdreg $0x0  }
0x20: {  	s5 =	sshll.u32 s28, $0x1;
	[dreg:$0x2] =	wrdreg s3  }
0x21: {  	[dreg:$0x3] =	wrdreg s5  }
0x22: {  	[dreg:$0x4] =	wrdreg $0xC0  }
0x23: {  	_ =	task [dreg:s7], $0x5FFFF  }
0x24: {  	[dreg:$0x1] =	wrdreg $0xFFFFFFFF  }
0x25: {  	[dreg:$0x0] =	wrdreg $0x60  }
0x26: {  	[dreg:$0x2] =	wrdreg s2  }
0x27: {  	[dreg:$0x3] =	wrdreg s25  }
0x28: {  	[dreg:$0x4] =	wrdreg $0x9  }
0x29: {  	_ =	task.clear_ibuf [dreg:s7], $0x5FFFF;
	_ =	strace $0x90000046  }
0x2a: {  	s29 =	simm.s32 $0x9;
	_ =	strace $0x80000048  }
0x2b: {  	_ =	swait.ge [sflag:s29], $0x1  }
0x2c: {  	[sflag:s29] =	ssyncadd.s32 $0xFFFFFFFF  }
0x2d: {  	_ =	strace $0x90000048  }
0x2e: {  	_ =	sfence  }
0x2f: {  	s30 =	sld [smem:$0x0];
	_ =	sdelay $0x2  }
0x30: {  	s31 =	sshll.u32 s1, $0xD;
	s1 =	sshrl.u32 s1, $0x2  }
0x31: {  	s3 =	sand.u32 $0x4000, s31;
	s1 =	sadd.s32 s1, s30  }
0x32: {  	s0 =	sor.u32 s3, s0;
	s1 =	sshll.u32 s1, $0x11  }
0x33: {  	s0 =	sor.u32 s1, s0  }
0x34: {  	s0 =	sadd.s32 $0x8F2B, s0  }
0x35: {  	[sflag:s0] =	ssyncadd.remote.s32 $0x1  }
0x36: {  	_ =	sfence.sel $0xFFFF  }
0x37: {  	[dreg:$0x0] =	wrdreg $0xFFFFFFFF;
	(pc) =	sbr.abs _section_cstart, $3  }
0x38: {  	[dreg:$0x1] =	wrdreg $0xFFFFFFFF  }
0x39: {  	_ =	task.clear_ibuf [dreg:s7], $0x2FFFF;
	_ =	strace $0x9FFFFFFF  }
0x3a: {  	(tm) =	ssettm $0x7FFFFFFF  }
0x3b: {  	_ =	shalt  }
tec
execute0_lowered:
.L_overlay_start_1:
0x0: {  	(tag) =	ssettag $0x1  }
0x1: {  	s0 =	srdreg.scid  }
0x2: {  	s1 =	sshll.u32 s0, $0x4  }
0x3: {  	s2 =	rddreg [dreg:$0x0];
	s0 =	stileid.u32;
	s1 =	sand.u32 $0x10, s1  }
0x4: {  	s4 =	rddreg [dreg:$0x1];
	s7 =	simm.s32 $0x1;
	s1 =	sor.u32 s0, s1  }
0x5: {  	s8 =	simm.s32 $0x2;
	s9 =	simm.s32 $0x0;
	s3 =	sshll.u32 s1, $0x1  }
0x6: {  	s12 =	simm.s32 $0x0;
	s11 =	simm.s32 $0x0;
	s6 =	ssub.s32 $0x400, s3  }
.Ltmp0:
0x7: {  	s4 =	sadd.s32 $0xC00, s4;
	s5 =	sand.u32 $0x3E, s6;
	(pc) =	sbr.rel .LBB1_1-.Ltmp0, $4  }
0x8: {  	s1 =	rddreg [dreg:$0x2];
	_ =	strace $0x80000047;
	p0 =	sne.s32 s5, $0x0  }
0x9: {  	s6 =	sshrl.u32 s6, $0x6;
	s5 =	simm.s32 $0x1;
	s7 =	simm.s32 @!p0 $0x0  }
0xa: {  	s10 =	smov.u32 s3;
	[sflag:s5] =	ssyncpa.u1 $0x0;
	s6 =	sadd.s32 s7, s6  }
0xb: {  	[sflag:s8] =	ssyncpa.u1 $0x0;
	s8 =	simm.s32 $0x0;
	s7 =	sadd.s32 $0x1, s6  }
.LBB1_9:
0xc: {  	s14 =	sadd.s32 $0x40, s10  }
0xd: {  	p1 =	sgt.s32 s14, $0x3FF  }
0xe: {  	s14 =	smov.u32 @p1 s3;
	p1 =	sne.s32 s11, s7  }
.Ltmp1:
0xf: {  	p0 =	slt.u32 s11, $0x2;
	(pc) =	sbr.rel @!p1 .LBB1_10-.Ltmp1, $4  }
0x10: {  	s13 =	simm.s32 @!p0 $0x2  }
0x11: {  	s15 =	sadd.s32 $0x1, s11;
	_ =	swait.ge @!p0 [sflag:s13], $0x4000  }
0x12: {  	s12 =	smov.u32 s10;
	s9 =	sadd.s32 $0x4000, s9;
	[sflag:s13] =	ssyncset.done @!p0 $0x0  }
0x13: {  	s11 =	smov.u32 s15;
	s10 =	smov.u32 s14;
	[sflag:s13] =	ssyncadd.s32 @!p0 $0xFFFFC000  }
.LBB1_1:
0x14: {  	p0 =	sge.u32 s11, s6  }
0x15: {  	s13 =	sxor.u32 @!p0 $0xFFFFFFFF, s11  }
0x16: {  	s31 =	sadd.s32 $0xFFFFFFFF, s11;
	s14 =	sshll.u32 @!p0 s10, $0xA;
	s13 =	sshll.u32 @!p0 s13, $0xE  }
0x17: {  	s15 =	simm.s32 @!p0 $0x0;
	s14 =	sadd.s32 @!p0 s2, s14;
	s13 =	sand.u32 @!p0 $0x4000, s13  }
0x18: {  	[tilespmem:s13], [sflag:$0x1] =	stream.linear.gather @!p0 [hbm4b:s14+s15], $0x4000, $0x38;
	[tilespmem:$0x10000] =	vst v63  }
0x19: {  	p0 =	sge.u32 s31, s6  }
.Ltmp2:
0x1a: {  	_ = 	snop;
	(pc) =	sbr.rel @p0 .LBB1_9-.Ltmp2, $1  }
0x1b: {  	_ =	sdelay $0x3  }
0x1c: {  	s13 =	sshll.u32 s9, $0x2  }
0x1d: {  	_ =	swait.ge [sflag:s5], $0x4000;
	s14 =	sshll.u32 s11, $0xE;
	s16 =	simm.s32 $0x0  }
0x1e: {  	p1 =	por $0x1, $0x1;
	s13 =	sand.u32 $0x10000, s13;
	[sflag:s5] =	ssyncset.done $0x0  }
0x1f: {  	s14 =	sand.u32 $0x4000, s14;
	s15 =	sshrl.u32 s13, $0x2;
	[sflag:s5] =	ssyncadd.s32 $0xFFFFC000  }
0x20: {  	s13 =	sor.u32 $0x8000, s14;
	s14 =	sadd.s32 $0x8040, s15;
	s15 =	sadd.s32 $0x40, s15  }
.LBB1_3:
0x21: {  	s16 =	sshll.u32 s16, $0x2  }
0x22: {  	p0 =	por p1, p1;
	s17 =	sshra.s32 s16, $0x2  }
0x23: {  	s18 =	simm.s32 $0x0;
	s16 =	sadd.s32 s17, s14;
	s17 =	sadd.s32 s17, s15  }
.LBB1_4:
0x24: {  	v0 =	vmov s17;
	_ =	sdelay $0x3  }
0x25: {  	s20 =	simm.s32 $0x0  }
0x26: {  	v6 =	vld.idx.msk [tilespmem:v0+s20+$0x30 ss:$0x1], $0xffff  }
0x27: {  	v7 =	vld.idx.msk [tilespmem:v0+s20+$0xFFFFFFC0 ss:$0x1], $0xffff  }
0x28: {  	v5 =	vld.idx.msk [tilespmem:v0+s20+$0xFFFFFFD0 ss:$0x1], $0xffff  }
0x29: {  	v4 =	vld.idx.msk [tilespmem:v0+s20+$0xFFFFFFE0 ss:$0x1], $0xffff  }
0x2a: {  	v3 =	vld.idx.msk [tilespmem:v0+s20+$0xFFFFFFF0 ss:$0x1], $0xffff  }
0x2b: {  	v1 =	vld.idx.msk [tilespmem:v0+s20+$0x0 ss:$0x1], $0xffff  }
0x2c: {  	v2 =	vld.idx.msk [tilespmem:v0+s20+$0x10 ss:$0x1], $0xffff;
	[tilespmem:s16+$0x30] =	vst v6  }
0x2d: {  	s19 =	simm.s32 $0x80;
	s21 =	simm.s32 $0x400;
	[tilespmem:s16+$0xFFFFFFC0] =	vst v7;
	v6 =	vld.idx.msk [tilespmem:v0+s20+$0x20 ss:$0x1], $0xffff;
	s20 =	smov.u32 s16  }
.LBB1_5:
0x2e: {  	p1 =	sne.s32 s21, $0xE00;
	v7 =	vld.idx.msk [tilespmem:v0+s19+$0x30 ss:$0x1], $0xffff;
	[tilespmem:s20+$0xFFFFFFD0] =	vst v5  }
0x2f: {  	v8 =	vld.idx.msk [tilespmem:v0+s19+$0xFFFFFFC0 ss:$0x1], $0xffff;
	[tilespmem:s20+$0xFFFFFFE0] =	vst v4  }
0x30: {  	v5 =	vld.idx.msk [tilespmem:v0+s19+$0xFFFFFFD0 ss:$0x1], $0xffff;
	[tilespmem:s20+$0xFFFFFFF0] =	vst v3  }
.Ltmp3:
0x31: {  	v4 =	vld.idx.msk [tilespmem:v0+s19+$0xFFFFFFE0 ss:$0x1], $0xffff;
	[tilespmem:s20+$0x0] =	vst v1;
	(pc) =	sbr.rel @p1 .LBB1_5-.Ltmp3, $4  }
0x32: {  	v3 =	vld.idx.msk [tilespmem:v0+s19+$0xFFFFFFF0 ss:$0x1], $0xffff;
	[tilespmem:s20+$0x10] =	vst v2  }
0x33: {  	v1 =	vld.idx.msk [tilespmem:v0+s19+$0x0 ss:$0x1], $0xffff;
	[tilespmem:s20+$0x20] =	vst v6;
	s20 =	sadd.s32 $0x400, s20  }
0x34: {  	v2 =	vld.idx.msk [tilespmem:v0+s19+$0x10 ss:$0x1], $0xffff;
	[tilespmem:s20+$0x30] =	vst v7  }
0x35: {  	[tilespmem:s20+$0xFFFFFFC0] =	vst v8;
	v6 =	vld.idx.msk [tilespmem:v0+s19+$0x20 ss:$0x1], $0xffff;
	s19 =	sshra.s32 s21, $0x2;
	s21 =	sadd.s32 $0x200, s21  }
0x36: {  	_ =	sdelay $0x2  }
0x37: {  	[tilespmem:s20+$0xFFFFFFD0] =	vst v5  }
0x38: {  	v56 =	vld.idx.msk [tilespmem:v0+s19+$0x30 ss:$0x1], $0xffff;
	[tilespmem:s20+$0xFFFFFFE0] =	vst v4  }
0x39: {  	v57 =	vld.idx.msk [tilespmem:v0+s19+$0xFFFFFFC0 ss:$0x1], $0xffff;
	[tilespmem:s20+$0xFFFFFFF0] =	vst v3  }
0x3a: {  	v58 =	vld.idx.msk [tilespmem:v0+s19+$0xFFFFFFD0 ss:$0x1], $0xffff;
	[tilespmem:s20+$0x0] =	vst v1  }
0x3b: {  	v59 =	vld.idx.msk [tilespmem:v0+s19+$0xFFFFFFE0 ss:$0x1], $0xffff;
	[tilespmem:s20+$0x10] =	vst v2  }
0x3c: {  	v60 =	vld.idx.msk [tilespmem:v0+s19+$0xFFFFFFF0 ss:$0x1], $0xffff;
	s31 =	sadd.s32 $0x400, s20;
	[tilespmem:s20+$0x20] =	vst v6  }
0x3d: {  	v61 =	vld.idx.msk [tilespmem:v0+s19+$0x0 ss:$0x1], $0xffff;
	[tilespmem:s31+$0x30] =	vst v56  }
0x3e: {  	v62 =	vld.idx.msk [tilespmem:v0+s19+$0x10 ss:$0x1], $0xffff;
	s18 =	sadd.s32 $0x1, s18;
	[tilespmem:s31+$0xFFFFFFC0] =	vst v57  }
0x3f: {  	v63 =	vld.idx.msk [tilespmem:v0+s19+$0x20 ss:$0x1], $0xffff;
	p1 =	sne.s32 s18, $0x8;
	[tilespmem:s31+$0xFFFFFFD0] =	vst v58  }
.Ltmp4:
0x40: {  	[tilespmem:s31+$0xFFFFFFE0] =	vst v59;
	(pc) =	sbr.rel @p1 .LBB1_4-.Ltmp4, $4  }
0x41: {  	[tilespmem:s31+$0xFFFFFFF0] =	vst v60  }
0x42: {  	[tilespmem:s31+$0x0] =	vst v61  }
0x43: {  	[tilespmem:s31+$0x10] =	vst v62  }
0x44: {  	s16 =	sadd.s32 $0x80, s16;
	s17 =	sadd.s32 $0x400, s17;
	[tilespmem:s31+$0x20] =	vst v63  }
.Ltmp5:
0x45: {  	(pc) =	sbr.rel @p0 .LBB1_3-.Ltmp5, $2  }
0x46: {  	_ =	sdelay $0x2  }
0x47: {  	s16 =	simm.s32 $0x2000;
	p1 =	por $0x0, $0x0  }
.Ltmp6:
0x48: {  	(pc) =	sbr.rel .LBB1_9-.Ltmp6, $4  }
0x49: {  	_ = 	snop  }
0x4a: {  	s12 =	sshll.u32 s12, $0xA  }
0x4b: {  	s12 =	sadd.s32 s4, s12  }
0x4c: {  	[hbm4b:s12+s8] =	stream.linear.scatter [tilespmem:s13], [sflag:$0x2], $0x4000, $0x38;
	[tilespmem:$0x10000] =	vst v63  }
.LBB1_10:
0x4d: {  	_ =	sfence.sel $0x180000  }
0x4e: {  	s2 =	simm.s32 $0x1;
	[bflag:$0x0] =	sbarrier.arrive $0xFFFF  }
0x4f: {  	s31 =	simm.s32 $0x2;
	[sflag:s2] =	ssyncpa.u1 $0x1  }
0x50: {  	[sflag:s31] =	ssyncpa.u1 $0x1  }
0x51: {  	p0 =	sne.s32 s0, $0x0;
	_ =	strace $0x90000047  }
0x52: {  	s0 =	sadd.s32 @!p0 $0x100000, s1;
	[bflag:$0x2] =	sbarrier.arrive $0xFFFF  }
0x53: {  	[sflag:s0] =	ssyncadd.tile.s32 @!p0 $0x1;
	_ =	shalt  }
.Lfunc_end1:
_tile_overlayer_lowered:
.L_overlay_start_2:
0x54: {  	(tag) =	ssettag $0x2  }
0x55: {  	s0 =	rddreg [dreg:$0x0];
	s2 =	stileid.u32  }
0x56: {  	s1 =	rddreg [dreg:$0x1];
	p0 =	sne.s32 s2, $0x0  }
0x57: {  	s3 =	rddreg [dreg:$0x2];
	[bflag:$0x3] =	sbarrier.arrive $0xFFFF;
	s2 =	simm.s32 @!p0 $0x1C01  }
0x58: {  	[timem:s3], [sflag:s2] =	dma.local @!p0 [hbm:s0], s1  }
0x59: {  	s0 =	simm.s32 @!p0 $0x1  }
0x5a: {  	_ =	swait.ge @!p0 [sflag:s0], s1  }
0x5b: {  	s1 =	ssub.s32 @!p0 $0x0, s1;
	[sflag:s0] =	ssyncset.done @!p0 $0x0  }
0x5c: {  	[sflag:s0] =	ssyncadd.s32 @!p0 s1  }
0x5d: {  	[bflag:$0x3] =	sbarrier.arrive $0xFFFF  }
0x5e: {  	_ =	shalt  }

</sc_bundles>
